<compile_context>
chip_gen: v7x
topology: tpu7x:2x2x1
jax: 0.10.2.dev20260603
libtpu: 0.0.44.dev20260713+nightly
codegen_flags: <defaults>
</compile_context>

<pallas_src>
import functools

import jax
import jax.numpy as jnp
from jax import lax
from jax.experimental import pallas as pl
from jax.experimental.pallas import tpu as pltpu, tpu_sc as plsc

B, C, T, E = 8, 32, 2048, 64
QL, NCLS, SUBJ, SR = 256, 40, 64, 2048

GPT = C + 1
ROWS_PER_B = 1 + T * GPT
NROWS = B * ROWS_PER_B
NWORK = 32
TPW = T // 4
CT = 16
CROWS = CT * GPT
NCHUNK = TPW // CT
GJ, GW = 6, 88
SEP_IDX = C * QL


def _sc_body(x2d, ids_h, condv_h, sidv_h, qt_h, ctab_h, chtab_h, subtab_h,
             sep_h, ts_h, out_h,
             idsv, sidv, condv, cidx, subrows, condrows, chrows, basec,
             sepv, xch, tsch, fidx, dst, sem):
    wid = lax.axis_index("c") * 16 + lax.axis_index("s")
    b = wid // 4
    tp = wid % 4

    pltpu.sync_copy(ids_h, idsv)
    pltpu.sync_copy(sidv_h, sidv)
    pltpu.sync_copy(condv_h, condv)
    pltpu.sync_copy(sep_h, sepv)

    pltpu.async_copy(subtab_h.at[sidv], subrows, sem).wait()

    cv = condv[pl.ds(0, 16)]
    cidx[pl.ds(0, 16)] = jnp.where(cv > 0, cv, NCLS)
    pltpu.async_copy(ctab_h.at[cidx], condrows, sem).wait()
    pltpu.async_copy(chtab_h.at[idsv], chrows, sem).wait()

    for l in range(4):
        sl = pl.ds(l * 16, 16)
        bseg = subrows[b, sl] + condrows[b, sl]
        for c in range(C):
            basec[c, sl] = chrows[c, sl] + bseg

    @pl.when(tp == 0)
    def _():
        pltpu.sync_copy(sepv, out_h.at[pl.ds(b * ROWS_PER_B, 1)])

    lanes = lax.iota(jnp.int32, 16)

    def chunk(g, carry):
        t0 = tp * TPW + g * CT
        r0 = b * ROWS_PER_B + 1 + t0 * GPT

        pltpu.sync_copy(x2d.at[pl.ds(b * C, C), pl.ds(t0, CT)], xch)
        pltpu.sync_copy(ts_h.at[pl.ds(t0, CT)], tsch)

        def cbody(c, carry):
            pos = lanes * GPT + c
            vals = xch[c, pl.ds(0, 16)] + c * QL
            plsc.store_scatter(fidx, [pos], vals)
            return carry
        lax.fori_loop(0, C, cbody, 0)
        pos = lanes * GPT + C
        plsc.store_scatter(fidx, [pos], jnp.full((16,), SEP_IDX, jnp.int32))

        descs = [pltpu.async_copy(qt_h.at[fidx.at[pl.ds(j * GW, GW)]],
                                  dst.at[pl.ds(j * GW, GW)], sem)
                 for j in range(GJ)]
        for d in descs:
            d.wait()

        def kbody(k, carry):
            tseg = [tsch[k, pl.ds(l * 16, 16)] for l in range(4)]

            def cadd(c, carry):
                row = k * GPT + c
                for l in range(4):
                    sl = pl.ds(l * 16, 16)
                    plsc.addupdate(dst.at[row, sl], basec[c, sl] + tseg[l])
                return carry
            lax.fori_loop(0, C, cadd, 0)
            srow = k * GPT + C
            for l in range(4):
                sl = pl.ds(l * 16, 16)
                dst[srow, sl] = sepv[0, sl]
            return carry
        lax.fori_loop(0, CT, kbody, 0)

        pltpu.sync_copy(dst, out_h.at[pl.ds(r0, CROWS)])
        return carry

    lax.fori_loop(0, NCHUNK, chunk, 0)


def kernel(x, ids, cond, sid, quant_tables, cond_table, ch_table, sub_table,
           sep_table, ts_table):
    x2d = x.astype(jnp.int32).reshape(B * C, T)
    ids32 = ids.astype(jnp.int32)
    condv = jnp.pad(cond.astype(jnp.int32).reshape(B), (0, 16 - B))
    sidv = jnp.pad(sid.astype(jnp.int32).reshape(B), (0, 16 - B))
    qt_ext = jnp.concatenate(
        [quant_tables.reshape(C * QL, E), jnp.zeros((8, E), jnp.float32)])
    ctab_ext = jnp.concatenate([cond_table, jnp.zeros((8, E), jnp.float32)])

    run = pl.kernel(
        _sc_body,
        out_type=jax.ShapeDtypeStruct((NROWS, E), jnp.float32),
        mesh=plsc.VectorSubcoreMesh(core_axis_name="c", subcore_axis_name="s"),
        compiler_params=pltpu.CompilerParams(use_tc_tiling_on_sc=False,
                                             needs_layout_passes=False),
        scratch_types=[
            pltpu.VMEM((C,), jnp.int32),
            pltpu.VMEM((16,), jnp.int32),
            pltpu.VMEM((16,), jnp.int32),
            pltpu.VMEM((16,), jnp.int32),
            pltpu.VMEM((16, E), jnp.float32),
            pltpu.VMEM((16, E), jnp.float32),
            pltpu.VMEM((C, E), jnp.float32),
            pltpu.VMEM((C, E), jnp.float32),
            pltpu.VMEM((1, E), jnp.float32),
            pltpu.VMEM((C, CT), jnp.int32),
            pltpu.VMEM((CT, E), jnp.float32),
            pltpu.VMEM((CROWS,), jnp.int32),
            pltpu.VMEM((CROWS, E), jnp.float32),
            pltpu.SemaphoreType.DMA,
        ],
    )
    out_flat = run(x2d, ids32, condv, sidv, qt_ext, ctab_ext, ch_table,
                   sub_table, sep_table, ts_table)
    return out_flat.reshape(B, ROWS_PER_B, E)

# --- scband reference (transcript-rebuilt; emitter-appended) ---
"""Pipeline reference for scband-embeddings-flat-21139829031352 (READ-ONLY COPY).

The authoritative reference and input builder live on the scoring server;
editing this copy changes nothing except your own understanding.
"""

import jax, jax.numpy as jnp
import numpy as np

B, C, T, E = 8, 32, 2048, 64
QL, NCLS, SUBJ, SR = 256, 40, 64, 2048

def setup_inputs(seed: int = 0) -> dict:
    key = jax.random.key(seed)
    ks = jax.random.split(key, 10)
    x = jax.random.randint(ks[0], (B, C, T), 0, QL)
    ids = jax.random.randint(ks[1], (C,), 0, C)
    cond = jax.random.randint(ks[2], (B, 1, 1), 0, NCLS)
    sid = jax.random.randint(ks[3], (B, 1, 1), 0, SUBJ)
    quant_tables = 0.02 * jax.random.normal(ks[4], (C, QL, E), dtype=jnp.float32)
    cond_table = 0.02 * jax.random.normal(ks[5], (NCLS, E), dtype=jnp.float32)
    ch_table = 0.02 * jax.random.normal(ks[6], (C, E), dtype=jnp.float32)
    sub_table = 0.02 * jax.random.normal(ks[7], (SUBJ, E), dtype=jnp.float32)
    sep_table = 0.02 * jax.random.normal(ks[8], (1, E), dtype=jnp.float32)
    ts_table = 0.02 * jax.random.normal(ks[9], (SR, E), dtype=jnp.float32)
    return {"x": x, "ids": ids, "cond": cond, "sid": sid,
            "quant_tables": quant_tables, "cond_table": cond_table,
            "ch_table": ch_table, "sub_table": sub_table,
            "sep_table": sep_table, "ts_table": ts_table}

def reference(x, ids, cond, sid, quant_tables, cond_table, ch_table, sub_table, sep_table, ts_table):
    b, c, t = x.shape
    e = quant_tables.shape[-1]
    # ListEmbedding: one embedding table per channel
    ch_idx = jnp.arange(c).reshape(1, c, 1)
    xe = quant_tables[ch_idx, x]  # (b, c, t, e)
    # class conditioning embedding, zeroed where cond <= 0
    cond_e = cond_table[cond]  # (b, 1, 1, e)
    mask = (cond[..., None] > 0).astype(cond_e.dtype)
    cond_e = cond_e * mask
    cond_e = jnp.broadcast_to(cond_e, (b, c, cond_e.shape[2], e))
    # subject embedding
    semb = sub_table[sid]  # (b, 1, 1, e)
    semb = jnp.broadcast_to(semb, (b, c, semb.shape[2], e))
    # channel embedding
    ch_ids = jnp.arange(c)
    ch_e = ch_table[ch_ids[ids]]  # (c, e)
    ch_e = jnp.broadcast_to(ch_e[None, None, :, :], (1, t, c, e))  # expand(1, t, -1, -1)
    ch_e = jnp.transpose(ch_e, (0, 2, 1, 3))  # (1, c, t, e)
    # timestep embedding (tid = [0, t])
    ts_e = ts_table[jnp.arange(0, t)]  # (t, e)
    xs = xe + cond_e + ch_e + ts_e[None, None, :, :] + semb  # (b, c, t, e)
    xr = jnp.transpose(xs, (0, 2, 1, 3)).reshape(b, t * c, e)
    # interleave sep embedding: [sep, chunk_0, sep, chunk_1, sep, ...] (out_times == 1)
    sep = sep_table[jnp.zeros((b, 1), dtype=jnp.int32)]  # (b, 1, e)
    groups = xr.reshape(b, t, c, e)
    sep_rep = jnp.broadcast_to(sep[:, None, :, :], (b, t, 1, e))
    combined = jnp.concatenate([groups, sep_rep], axis=2).reshape(b, t * (c + 1), e)
    out = jnp.concatenate([sep, combined], axis=1)  # (b, 1 + t*(c+1), e)
    return out

if __name__ == "__main__":
    import jax
    _d = setup_inputs()
    print(jax.jit(kernel)(*tuple(_d.values())))

</pallas_src>

<mosaic_0001>
#map = affine_map<(d0, d1) -> (0, 0)>
#map1 = affine_map<(d0, d1) -> (0)>
module attributes {stable_mosaic.version = 14 : i64} {
  func.func @_sc_body(%arg0: i32, %arg1: i32, %arg2: memref<256x2048xi32, #tpu.memory_space<hbm>>, %arg3: memref<32xi32, #tpu.memory_space<hbm>>, %arg4: memref<16xi32, #tpu.memory_space<hbm>>, %arg5: memref<16xi32, #tpu.memory_space<hbm>>, %arg6: memref<8200x64xf32, #tpu.memory_space<hbm>>, %arg7: memref<48x64xf32, #tpu.memory_space<hbm>>, %arg8: memref<32x64xf32, #tpu.memory_space<hbm>>, %arg9: memref<64x64xf32, #tpu.memory_space<hbm>>, %arg10: memref<1x64xf32, #tpu.memory_space<hbm>>, %arg11: memref<2048x64xf32, #tpu.memory_space<hbm>>, %arg12: memref<540680x64xf32, #tpu.memory_space<hbm>>, %arg13: memref<32xi32, #tpu.memory_space<vmem>>, %arg14: memref<16xi32, #tpu.memory_space<vmem>>, %arg15: memref<16xi32, #tpu.memory_space<vmem>>, %arg16: memref<16xi32, #tpu.memory_space<vmem>>, %arg17: memref<16x64xf32, #tpu.memory_space<vmem>>, %arg18: memref<16x64xf32, #tpu.memory_space<vmem>>, %arg19: memref<32x64xf32, #tpu.memory_space<vmem>>, %arg20: memref<32x64xf32, #tpu.memory_space<vmem>>, %arg21: memref<1x64xf32, #tpu.memory_space<vmem>>, %arg22: memref<32x16xi32, #tpu.memory_space<vmem>>, %arg23: memref<16x64xf32, #tpu.memory_space<vmem>>, %arg24: memref<528xi32, #tpu.memory_space<vmem>>, %arg25: memref<528x64xf32, #tpu.memory_space<vmem>>, %arg26: memref<!tpu.dma_semaphore, #tpu.memory_space<semaphore_mem>>) attributes {dimension_semantics = [#tpu.dimension_semantics<core_parallel>, #tpu.dimension_semantics<subcore_parallel>], iteration_bounds = array<i64: 2, 16>, scalar_prefetch = 0 : i64, scratch_operands = 14 : i64, tpu.core_type = #tpu.core_type<sc_vector_subcore>, window_params = [{transform_indices = #map}, {transform_indices = #map1}, {transform_indices = #map1}, {transform_indices = #map1}, {transform_indices = #map}, {transform_indices = #map}, {transform_indices = #map}, {transform_indices = #map}, {transform_indices = #map}, {transform_indices = #map}, {transform_indices = #map}]} {
    %mul3A = arith.constant 16 : i32
    %mul3A_0 = arith.muli %arg0, %mul3A : i32
    %add3A = arith.addi %mul3A_0, %arg1 : i32
    %jit3A = arith.constant 4 : i32
    %div3A = arith.divsi %add3A, %jit3A : i32
    %sign3A = arith.constant 0 : i32
    %sign3A_1 = arith.cmpi sgt, %add3A, %sign3A : i32
    %sign3A_2 = arith.extui %sign3A_1 : i1 to i32
    %sign3A_3 = arith.constant 0 : i32
    %sign3A_4 = arith.cmpi slt, %add3A, %sign3A_3 : i32
    %sign3A_5 = arith.extui %sign3A_4 : i1 to i32
    %sign3A_6 = arith.subi %sign3A_2, %sign3A_5 : i32
    %sign3A_7 = arith.constant 0 : i32
    %sign3A_8 = arith.cmpi sgt, %jit3A, %sign3A_7 : i32
    %sign3A_9 = arith.extui %sign3A_8 : i1 to i32
    %sign3A_10 = arith.constant 0 : i32
    %sign3A_11 = arith.cmpi slt, %jit3A, %sign3A_10 : i32
    %sign3A_12 = arith.extui %sign3A_11 : i1 to i32
    %sign3A_13 = arith.subi %sign3A_9, %sign3A_12 : i32
    %ne3A = arith.cmpi ne, %sign3A_6, %sign3A_13 : i32
    %rem3A = arith.remsi %add3A, %jit3A : i32
    %ne3A_14 = arith.constant 0 : i32
    %ne3A_15 = arith.cmpi ne, %rem3A, %ne3A_14 : i32
    %and3A = arith.andi %ne3A, %ne3A_15 : i1
    %sub3A = arith.constant 1 : i32
    %sub3A_16 = arith.subi %div3A, %sub3A : i32
    %select_n3A = arith.select %and3A, %sub3A_16, %div3A : i32
    %jit3A_17 = arith.constant 4 : i32
    %eq3A = arith.constant 0 : i32
    %eq3A_18 = arith.cmpi eq, %jit3A_17, %eq3A : i32
    %jit3A_19 = arith.constant 1 : i32
    %select_n3A_20 = arith.select %eq3A_18, %jit3A_19, %jit3A_17 : i32
    %rem3A_21 = arith.remsi %add3A, %select_n3A_20 : i32
    %ne3A_22 = arith.constant 0 : i32
    %ne3A_23 = arith.cmpi ne, %rem3A_21, %ne3A_22 : i32
    %lt3A = arith.constant 0 : i32
    %lt3A_24 = arith.cmpi slt, %rem3A_21, %lt3A : i32
    %lt3A_25 = arith.constant 0 : i32
    %lt3A_26 = arith.cmpi slt, %select_n3A_20, %lt3A_25 : i32
    %ne3A_27 = arith.xori %lt3A_24, %lt3A_26 : i1
    %and3A_28 = arith.andi %ne3A_27, %ne3A_23 : i1
    %add3A_29 = arith.addi %rem3A_21, %select_n3A_20 : i32
    %select_n3A_30 = arith.select %and3A_28, %add3A_29, %rem3A_21 : i32
    "tpu.region"() ({
      %run_scoped3A = tpu.sem_alloc : memref<!tpu.dma_semaphore, #tpu.memory_space<semaphore_mem>>
      tpu.enqueue_dma source(%arg3 : memref<32xi32, #tpu.memory_space<hbm>>) target(%arg13 : memref<32xi32, #tpu.memory_space<vmem>>) target_semaphore(%run_scoped3A : memref<!tpu.dma_semaphore, #tpu.memory_space<semaphore_mem>>)
      tpu.wait_dma2 semaphore(%run_scoped3A : memref<!tpu.dma_semaphore, #tpu.memory_space<semaphore_mem>>) src(%arg3 : memref<32xi32, #tpu.memory_space<hbm>>) dst(%arg13 : memref<32xi32, #tpu.memory_space<vmem>>)
      tpu.yield
    }) : () -> ()
    "tpu.region"() ({
      %run_scoped3A = tpu.sem_alloc : memref<!tpu.dma_semaphore, #tpu.memory_space<semaphore_mem>>
      tpu.enqueue_dma source(%arg5 : memref<16xi32, #tpu.memory_space<hbm>>) target(%arg14 : memref<16xi32, #tpu.memory_space<vmem>>) target_semaphore(%run_scoped3A : memref<!tpu.dma_semaphore, #tpu.memory_space<semaphore_mem>>)
      tpu.wait_dma2 semaphore(%run_scoped3A : memref<!tpu.dma_semaphore, #tpu.memory_space<semaphore_mem>>) src(%arg5 : memref<16xi32, #tpu.memory_space<hbm>>) dst(%arg14 : memref<16xi32, #tpu.memory_space<vmem>>)
      tpu.yield
    }) : () -> ()
    "tpu.region"() ({
      %run_scoped3A = tpu.sem_alloc : memref<!tpu.dma_semaphore, #tpu.memory_space<semaphore_mem>>
      tpu.enqueue_dma source(%arg4 : memref<16xi32, #tpu.memory_space<hbm>>) target(%arg15 : memref<16xi32, #tpu.memory_space<vmem>>) target_semaphore(%run_scoped3A : memref<!tpu.dma_semaphore, #tpu.memory_space<semaphore_mem>>)
      tpu.wait_dma2 semaphore(%run_scoped3A : memref<!tpu.dma_semaphore, #tpu.memory_space<semaphore_mem>>) src(%arg4 : memref<16xi32, #tpu.memory_space<hbm>>) dst(%arg15 : memref<16xi32, #tpu.memory_space<vmem>>)
      tpu.yield
    }) : () -> ()
    "tpu.region"() ({
      %run_scoped3A = tpu.sem_alloc : memref<!tpu.dma_semaphore, #tpu.memory_space<semaphore_mem>>
      tpu.enqueue_dma source(%arg10 : memref<1x64xf32, #tpu.memory_space<hbm>>) target(%arg21 : memref<1x64xf32, #tpu.memory_space<vmem>>) target_semaphore(%run_scoped3A : memref<!tpu.dma_semaphore, #tpu.memory_space<semaphore_mem>>)
      tpu.wait_dma2 semaphore(%run_scoped3A : memref<!tpu.dma_semaphore, #tpu.memory_space<semaphore_mem>>) src(%arg10 : memref<1x64xf32, #tpu.memory_space<hbm>>) dst(%arg21 : memref<1x64xf32, #tpu.memory_space<vmem>>)
      tpu.yield
    }) : () -> ()
    %dma_start3A = arith.constant 0 : i32
    %dma_start3A_31 = arith.constant 0 : i32
    %dma_start3A_32 = tpu.memref_slice %arg9[%dma_start3A, %dma_start3A_31] : memref<64x64xf32, #tpu.memory_space<hbm>> -> memref<64x64xf32, #tpu.memory_space<hbm>>
    tpu.enqueue_indirect_dma source(%dma_start3A_32 : memref<64x64xf32, #tpu.memory_space<hbm>>) target(%arg17 : memref<16x64xf32, #tpu.memory_space<vmem>>) offsets(%arg14 : memref<16xi32, #tpu.memory_space<vmem>>) semaphore(%arg26 : memref<!tpu.dma_semaphore, #tpu.memory_space<semaphore_mem>>)
    %dma_wait3A = arith.constant 0 : i32
    %dma_wait3A_33 = arith.constant 0 : i32
    %dma_wait3A_34 = tpu.memref_slice %arg9[%dma_wait3A, %dma_wait3A_33] : memref<64x64xf32, #tpu.memory_space<hbm>> -> memref<64x64xf32, #tpu.memory_space<hbm>>
    tpu.wait_indirect_dma semaphore(%arg26 : memref<!tpu.dma_semaphore, #tpu.memory_space<semaphore_mem>>) src(%dma_wait3A_34 : memref<64x64xf32, #tpu.memory_space<hbm>>) dst(%arg17 : memref<16x64xf32, #tpu.memory_space<vmem>>)
    %get3A = arith.constant 0 : index
    %get3A_35 = tpu.vector_load %arg15[%get3A] {strides = array<i32>} : memref<16xi32, #tpu.memory_space<vmem>>, vector<16xi32>,
    %gt3A = arith.constant 0 : i32
    %gt3A_36 = vector.broadcast %gt3A : i32 to vector<16xi32>
    %gt3A_37 = arith.cmpi sgt, %get3A_35, %gt3A_36 : vector<16xi32>
    %jit3A_38 = arith.constant 40 : i32
    %broadcast_in_dim3A = vector.broadcast %jit3A_38 : i32 to vector<16xi32>
    %select_n3A_39 = arith.select %gt3A_37, %get3A_35, %broadcast_in_dim3A : vector<16xi1>, vector<16xi32>
    %swap3A = arith.constant 0 : index
    %swap3A_40 = tpu.vector_load %arg16[%swap3A] {strides = array<i32>} : memref<16xi32, #tpu.memory_space<vmem>>, vector<16xi32>,
    tpu.vector_store %arg16[%swap3A], %select_n3A_39 {strides = array<i32>} : memref<16xi32, #tpu.memory_space<vmem>>, vector<16xi32>,
    %dma_start3A_41 = arith.constant 0 : i32
    %dma_start3A_42 = arith.constant 0 : i32
    %dma_start3A_43 = tpu.memref_slice %arg7[%dma_start3A_41, %dma_start3A_42] : memref<48x64xf32, #tpu.memory_space<hbm>> -> memref<48x64xf32, #tpu.memory_space<hbm>>
    tpu.enqueue_indirect_dma source(%dma_start3A_43 : memref<48x64xf32, #tpu.memory_space<hbm>>) target(%arg18 : memref<16x64xf32, #tpu.memory_space<vmem>>) offsets(%arg16 : memref<16xi32, #tpu.memory_space<vmem>>) semaphore(%arg26 : memref<!tpu.dma_semaphore, #tpu.memory_space<semaphore_mem>>)
    %dma_wait3A_44 = arith.constant 0 : i32
    %dma_wait3A_45 = arith.constant 0 : i32
    %dma_wait3A_46 = tpu.memref_slice %arg7[%dma_wait3A_44, %dma_wait3A_45] : memref<48x64xf32, #tpu.memory_space<hbm>> -> memref<48x64xf32, #tpu.memory_space<hbm>>
    tpu.wait_indirect_dma semaphore(%arg26 : memref<!tpu.dma_semaphore, #tpu.memory_space<semaphore_mem>>) src(%dma_wait3A_46 : memref<48x64xf32, #tpu.memory_space<hbm>>) dst(%arg18 : memref<16x64xf32, #tpu.memory_space<vmem>>)
    %dma_start3A_47 = arith.constant 0 : i32
    %dma_start3A_48 = arith.constant 0 : i32
    %dma_start3A_49 = tpu.memref_slice %arg8[%dma_start3A_47, %dma_start3A_48] : memref<32x64xf32, #tpu.memory_space<hbm>> -> memref<32x64xf32, #tpu.memory_space<hbm>>
    tpu.enqueue_indirect_dma source(%dma_start3A_49 : memref<32x64xf32, #tpu.memory_space<hbm>>) target(%arg19 : memref<32x64xf32, #tpu.memory_space<vmem>>) offsets(%arg13 : memref<32xi32, #tpu.memory_space<vmem>>) semaphore(%arg26 : memref<!tpu.dma_semaphore, #tpu.memory_space<semaphore_mem>>)
    %dma_wait3A_50 = arith.constant 0 : i32
    %dma_wait3A_51 = arith.constant 0 : i32
    %dma_wait3A_52 = tpu.memref_slice %arg8[%dma_wait3A_50, %dma_wait3A_51] : memref<32x64xf32, #tpu.memory_space<hbm>> -> memref<32x64xf32, #tpu.memory_space<hbm>>
    tpu.wait_indirect_dma semaphore(%arg26 : memref<!tpu.dma_semaphore, #tpu.memory_space<semaphore_mem>>) src(%dma_wait3A_52 : memref<32x64xf32, #tpu.memory_space<hbm>>) dst(%arg19 : memref<32x64xf32, #tpu.memory_space<vmem>>)
    %get3A_53 = arith.index_cast %select_n3A : i32 to index
    %get3A_54 = arith.constant 0 : index
    %get3A_55 = tpu.vector_load %arg17[%get3A_53, %get3A_54] {strides = array<i32>} : memref<16x64xf32, #tpu.memory_space<vmem>>, vector<16xf32>,
    %get3A_56 = arith.index_cast %select_n3A : i32 to index
    %get3A_57 = arith.constant 0 : index
    %get3A_58 = tpu.vector_load %arg18[%get3A_56, %get3A_57] {strides = array<i32>} : memref<16x64xf32, #tpu.memory_space<vmem>>, vector<16xf32>,
    %add3A_59 = arith.addf %get3A_55, %get3A_58 : vector<16xf32>
    %get3A_60 = arith.constant 0 : i32
    %get3A_61 = arith.index_cast %get3A_60 : i32 to index
    %get3A_62 = arith.constant 0 : index
    %get3A_63 = tpu.vector_load %arg19[%get3A_61, %get3A_62] {strides = array<i32>} : memref<32x64xf32, #tpu.memory_space<vmem>>, vector<16xf32>,
    %add3A_64 = arith.addf %get3A_63, %add3A_59 : vector<16xf32>
    %swap3A_65 = arith.constant 0 : i32
    %swap3A_66 = arith.index_cast %swap3A_65 : i32 to index
    %swap3A_67 = arith.constant 0 : index
    %swap3A_68 = tpu.vector_load %arg20[%swap3A_66, %swap3A_67] {strides = array<i32>} : memref<32x64xf32, #tpu.memory_space<vmem>>, vector<16xf32>,
    tpu.vector_store %arg20[%swap3A_66, %swap3A_67], %add3A_64 {strides = array<i32>} : memref<32x64xf32, #tpu.memory_space<vmem>>, vector<16xf32>,
    %get3A_69 = arith.constant 1 : i32
    %get3A_70 = arith.index_cast %get3A_69 : i32 to index
    %get3A_71 = arith.constant 0 : index
    %get3A_72 = tpu.vector_load %arg19[%get3A_70, %get3A_71] {strides = array<i32>} : memref<32x64xf32, #tpu.memory_space<vmem>>, vector<16xf32>,
    %add3A_73 = arith.addf %get3A_72, %add3A_59 : vector<16xf32>
    %swap3A_74 = arith.constant 1 : i32
    %swap3A_75 = arith.index_cast %swap3A_74 : i32 to index
    %swap3A_76 = arith.constant 0 : index
    %swap3A_77 = tpu.vector_load %arg20[%swap3A_75, %swap3A_76] {strides = array<i32>} : memref<32x64xf32, #tpu.memory_space<vmem>>, vector<16xf32>,
    tpu.vector_store %arg20[%swap3A_75, %swap3A_76], %add3A_73 {strides = array<i32>} : memref<32x64xf32, #tpu.memory_space<vmem>>, vector<16xf32>,
    %get3A_78 = arith.constant 2 : i32
    %get3A_79 = arith.index_cast %get3A_78 : i32 to index
    %get3A_80 = arith.constant 0 : index
    %get3A_81 = tpu.vector_load %arg19[%get3A_79, %get3A_80] {strides = array<i32>} : memref<32x64xf32, #tpu.memory_space<vmem>>, vector<16xf32>,
    %add3A_82 = arith.addf %get3A_81, %add3A_59 : vector<16xf32>
    %swap3A_83 = arith.constant 2 : i32
    %swap3A_84 = arith.index_cast %swap3A_83 : i32 to index
    %swap3A_85 = arith.constant 0 : index
    %swap3A_86 = tpu.vector_load %arg20[%swap3A_84, %swap3A_85] {strides = array<i32>} : memref<32x64xf32, #tpu.memory_space<vmem>>, vector<16xf32>,
    tpu.vector_store %arg20[%swap3A_84, %swap3A_85], %add3A_82 {strides = array<i32>} : memref<32x64xf32, #tpu.memory_space<vmem>>, vector<16xf32>,
    %get3A_87 = arith.constant 3 : i32
    %get3A_88 = arith.index_cast %get3A_87 : i32 to index
    %get3A_89 = arith.constant 0 : index
    %get3A_90 = tpu.vector_load %arg19[%get3A_88, %get3A_89] {strides = array<i32>} : memref<32x64xf32, #tpu.memory_space<vmem>>, vector<16xf32>,
    %add3A_91 = arith.addf %get3A_90, %add3A_59 : vector<16xf32>
    %swap3A_92 = arith.constant 3 : i32
    %swap3A_93 = arith.index_cast %swap3A_92 : i32 to index
    %swap3A_94 = arith.constant 0 : index
    %swap3A_95 = tpu.vector_load %arg20[%swap3A_93, %swap3A_94] {strides = array<i32>} : memref<32x64xf32, #tpu.memory_space<vmem>>, vector<16xf32>,
    tpu.vector_store %arg20[%swap3A_93, %swap3A_94], %add3A_91 {strides = array<i32>} : memref<32x64xf32, #tpu.memory_space<vmem>>, vector<16xf32>,
    %get3A_96 = arith.constant 4 : i32
    %get3A_97 = arith.index_cast %get3A_96 : i32 to index
    %get3A_98 = arith.constant 0 : index
    %get3A_99 = tpu.vector_load %arg19[%get3A_97, %get3A_98] {strides = array<i32>} : memref<32x64xf32, #tpu.memory_space<vmem>>, vector<16xf32>,
    %add3A_100 = arith.addf %get3A_99, %add3A_59 : vector<16xf32>
    %swap3A_101 = arith.constant 4 : i32
    %swap3A_102 = arith.index_cast %swap3A_101 : i32 to index
    %swap3A_103 = arith.constant 0 : index
    %swap3A_104 = tpu.vector_load %arg20[%swap3A_102, %swap3A_103] {strides = array<i32>} : memref<32x64xf32, #tpu.memory_space<vmem>>, vector<16xf32>,
    tpu.vector_store %arg20[%swap3A_102, %swap3A_103], %add3A_100 {strides = array<i32>} : memref<32x64xf32, #tpu.memory_space<vmem>>, vector<16xf32>,
    %get3A_105 = arith.constant 5 : i32
    %get3A_106 = arith.index_cast %get3A_105 : i32 to index
    %get3A_107 = arith.constant 0 : index
    %get3A_108 = tpu.vector_load %arg19[%get3A_106, %get3A_107] {strides = array<i32>} : memref<32x64xf32, #tpu.memory_space<vmem>>, vector<16xf32>,
    %add3A_109 = arith.addf %get3A_108, %add3A_59 : vector<16xf32>
    %swap3A_110 = arith.constant 5 : i32
    %swap3A_111 = arith.index_cast %swap3A_110 : i32 to index
    %swap3A_112 = arith.constant 0 : index
    %swap3A_113 = tpu.vector_load %arg20[%swap3A_111, %swap3A_112] {strides = array<i32>} : memref<32x64xf32, #tpu.memory_space<vmem>>, vector<16xf32>,
    tpu.vector_store %arg20[%swap3A_111, %swap3A_112], %add3A_109 {strides = array<i32>} : memref<32x64xf32, #tpu.memory_space<vmem>>, vector<16xf32>,
    %get3A_114 = arith.constant 6 : i32
    %get3A_115 = arith.index_cast %get3A_114 : i32 to index
    %get3A_116 = arith.constant 0 : index
    %get3A_117 = tpu.vector_load %arg19[%get3A_115, %get3A_116] {strides = array<i32>} : memref<32x64xf32, #tpu.memory_space<vmem>>, vector<16xf32>,
    %add3A_118 = arith.addf %get3A_117, %add3A_59 : vector<16xf32>
    %swap3A_119 = arith.constant 6 : i32
    %swap3A_120 = arith.index_cast %swap3A_119 : i32 to index
    %swap3A_121 = arith.constant 0 : index
    %swap3A_122 = tpu.vector_load %arg20[%swap3A_120, %swap3A_121] {strides = array<i32>} : memref<32x64xf32, #tpu.memory_space<vmem>>, vector<16xf32>,
    tpu.vector_store %arg20[%swap3A_120, %swap3A_121], %add3A_118 {strides = array<i32>} : memref<32x64xf32, #tpu.memory_space<vmem>>, vector<16xf32>,
    %get3A_123 = arith.constant 7 : i32
    %get3A_124 = arith.index_cast %get3A_123 : i32 to index
    %get3A_125 = arith.constant 0 : index
    %get3A_126 = tpu.vector_load %arg19[%get3A_124, %get3A_125] {strides = array<i32>} : memref<32x64xf32, #tpu.memory_space<vmem>>, vector<16xf32>,
    %add3A_127 = arith.addf %get3A_126, %add3A_59 : vector<16xf32>
    %swap3A_128 = arith.constant 7 : i32
    %swap3A_129 = arith.index_cast %swap3A_128 : i32 to index
    %swap3A_130 = arith.constant 0 : index
    %swap3A_131 = tpu.vector_load %arg20[%swap3A_129, %swap3A_130] {strides = array<i32>} : memref<32x64xf32, #tpu.memory_space<vmem>>, vector<16xf32>,
    tpu.vector_store %arg20[%swap3A_129, %swap3A_130], %add3A_127 {strides = array<i32>} : memref<32x64xf32, #tpu.memory_space<vmem>>, vector<16xf32>,
    %get3A_132 = arith.constant 8 : i32
    %get3A_133 = arith.index_cast %get3A_132 : i32 to index
    %get3A_134 = arith.constant 0 : index
    %get3A_135 = tpu.vector_load %arg19[%get3A_133, %get3A_134] {strides = array<i32>} : memref<32x64xf32, #tpu.memory_space<vmem>>, vector<16xf32>,
    %add3A_136 = arith.addf %get3A_135, %add3A_59 : vector<16xf32>
    %swap3A_137 = arith.constant 8 : i32
    %swap3A_138 = arith.index_cast %swap3A_137 : i32 to index
    %swap3A_139 = arith.constant 0 : index
    %swap3A_140 = tpu.vector_load %arg20[%swap3A_138, %swap3A_139] {strides = array<i32>} : memref<32x64xf32, #tpu.memory_space<vmem>>, vector<16xf32>,
    tpu.vector_store %arg20[%swap3A_138, %swap3A_139], %add3A_136 {strides = array<i32>} : memref<32x64xf32, #tpu.memory_space<vmem>>, vector<16xf32>,
    %get3A_141 = arith.constant 9 : i32
    %get3A_142 = arith.index_cast %get3A_141 : i32 to index
    %get3A_143 = arith.constant 0 : index
    %get3A_144 = tpu.vector_load %arg19[%get3A_142, %get3A_143] {strides = array<i32>} : memref<32x64xf32, #tpu.memory_space<vmem>>, vector<16xf32>,
    %add3A_145 = arith.addf %get3A_144, %add3A_59 : vector<16xf32>
    %swap3A_146 = arith.constant 9 : i32
    %swap3A_147 = arith.index_cast %swap3A_146 : i32 to index
    %swap3A_148 = arith.constant 0 : index
    %swap3A_149 = tpu.vector_load %arg20[%swap3A_147, %swap3A_148] {strides = array<i32>} : memref<32x64xf32, #tpu.memory_space<vmem>>, vector<16xf32>,
    tpu.vector_store %arg20[%swap3A_147, %swap3A_148], %add3A_145 {strides = array<i32>} : memref<32x64xf32, #tpu.memory_space<vmem>>, vector<16xf32>,
    %get3A_150 = arith.constant 10 : i32
    %get3A_151 = arith.index_cast %get3A_150 : i32 to index
    %get3A_152 = arith.constant 0 : index
    %get3A_153 = tpu.vector_load %arg19[%get3A_151, %get3A_152] {strides = array<i32>} : memref<32x64xf32, #tpu.memory_space<vmem>>, vector<16xf32>,
    %add3A_154 = arith.addf %get3A_153, %add3A_59 : vector<16xf32>
    %swap3A_155 = arith.constant 10 : i32
    %swap3A_156 = arith.index_cast %swap3A_155 : i32 to index
    %swap3A_157 = arith.constant 0 : index
    %swap3A_158 = tpu.vector_load %arg20[%swap3A_156, %swap3A_157] {strides = array<i32>} : memref<32x64xf32, #tpu.memory_space<vmem>>, vector<16xf32>,
    tpu.vector_store %arg20[%swap3A_156, %swap3A_157], %add3A_154 {strides = array<i32>} : memref<32x64xf32, #tpu.memory_space<vmem>>, vector<16xf32>,
    %get3A_159 = arith.constant 11 : i32
    %get3A_160 = arith.index_cast %get3A_159 : i32 to index
    %get3A_161 = arith.constant 0 : index
    %get3A_162 = tpu.vector_load %arg19[%get3A_160, %get3A_161] {strides = array<i32>} : memref<32x64xf32, #tpu.memory_space<vmem>>, vector<16xf32>,
    %add3A_163 = arith.addf %get3A_162, %add3A_59 : vector<16xf32>
    %swap3A_164 = arith.constant 11 : i32
    %swap3A_165 = arith.index_cast %swap3A_164 : i32 to index
    %swap3A_166 = arith.constant 0 : index
    %swap3A_167 = tpu.vector_load %arg20[%swap3A_165, %swap3A_166] {strides = array<i32>} : memref<32x64xf32, #tpu.memory_space<vmem>>, vector<16xf32>,
    tpu.vector_store %arg20[%swap3A_165, %swap3A_166], %add3A_163 {strides = array<i32>} : memref<32x64xf32, #tpu.memory_space<vmem>>, vector<16xf32>,
    %get3A_168 = arith.constant 12 : i32
    %get3A_169 = arith.index_cast %get3A_168 : i32 to index
    %get3A_170 = arith.constant 0 : index
    %get3A_171 = tpu.vector_load %arg19[%get3A_169, %get3A_170] {strides = array<i32>} : memref<32x64xf32, #tpu.memory_space<vmem>>, vector<16xf32>,
    %add3A_172 = arith.addf %get3A_171, %add3A_59 : vector<16xf32>
    %swap3A_173 = arith.constant 12 : i32
    %swap3A_174 = arith.index_cast %swap3A_173 : i32 to index
    %swap3A_175 = arith.constant 0 : index
    %swap3A_176 = tpu.vector_load %arg20[%swap3A_174, %swap3A_175] {strides = array<i32>} : memref<32x64xf32, #tpu.memory_space<vmem>>, vector<16xf32>,
    tpu.vector_store %arg20[%swap3A_174, %swap3A_175], %add3A_172 {strides = array<i32>} : memref<32x64xf32, #tpu.memory_space<vmem>>, vector<16xf32>,
    %get3A_177 = arith.constant 13 : i32
    %get3A_178 = arith.index_cast %get3A_177 : i32 to index
    %get3A_179 = arith.constant 0 : index
    %get3A_180 = tpu.vector_load %arg19[%get3A_178, %get3A_179] {strides = array<i32>} : memref<32x64xf32, #tpu.memory_space<vmem>>, vector<16xf32>,
    %add3A_181 = arith.addf %get3A_180, %add3A_59 : vector<16xf32>
    %swap3A_182 = arith.constant 13 : i32
    %swap3A_183 = arith.index_cast %swap3A_182 : i32 to index
    %swap3A_184 = arith.constant 0 : index
    %swap3A_185 = tpu.vector_load %arg20[%swap3A_183, %swap3A_184] {strides = array<i32>} : memref<32x64xf32, #tpu.memory_space<vmem>>, vector<16xf32>,
    tpu.vector_store %arg20[%swap3A_183, %swap3A_184], %add3A_181 {strides = array<i32>} : memref<32x64xf32, #tpu.memory_space<vmem>>, vector<16xf32>,
    %get3A_186 = arith.constant 14 : i32
    %get3A_187 = arith.index_cast %get3A_186 : i32 to index
    %get3A_188 = arith.constant 0 : index
    %get3A_189 = tpu.vector_load %arg19[%get3A_187, %get3A_188] {strides = array<i32>} : memref<32x64xf32, #tpu.memory_space<vmem>>, vector<16xf32>,
    %add3A_190 = arith.addf %get3A_189, %add3A_59 : vector<16xf32>
    %swap3A_191 = arith.constant 14 : i32
    %swap3A_192 = arith.index_cast %swap3A_191 : i32 to index
    %swap3A_193 = arith.constant 0 : index
    %swap3A_194 = tpu.vector_load %arg20[%swap3A_192, %swap3A_193] {strides = array<i32>} : memref<32x64xf32, #tpu.memory_space<vmem>>, vector<16xf32>,
    tpu.vector_store %arg20[%swap3A_192, %swap3A_193], %add3A_190 {strides = array<i32>} : memref<32x64xf32, #tpu.memory_space<vmem>>, vector<16xf32>,
    %get3A_195 = arith.constant 15 : i32
    %get3A_196 = arith.index_cast %get3A_195 : i32 to index
    %get3A_197 = arith.constant 0 : index
    %get3A_198 = tpu.vector_load %arg19[%get3A_196, %get3A_197] {strides = array<i32>} : memref<32x64xf32, #tpu.memory_space<vmem>>, vector<16xf32>,
    %add3A_199 = arith.addf %get3A_198, %add3A_59 : vector<16xf32>
    %swap3A_200 = arith.constant 15 : i32
    %swap3A_201 = arith.index_cast %swap3A_200 : i32 to index
    %swap3A_202 = arith.constant 0 : index
    %swap3A_203 = tpu.vector_load %arg20[%swap3A_201, %swap3A_202] {strides = array<i32>} : memref<32x64xf32, #tpu.memory_space<vmem>>, vector<16xf32>,
    tpu.vector_store %arg20[%swap3A_201, %swap3A_202], %add3A_199 {strides = array<i32>} : memref<32x64xf32, #tpu.memory_space<vmem>>, vector<16xf32>,
    %get3A_204 = arith.constant 16 : i32
    %get3A_205 = arith.index_cast %get3A_204 : i32 to index
    %get3A_206 = arith.constant 0 : index
    %get3A_207 = tpu.vector_load %arg19[%get3A_205, %get3A_206] {strides = array<i32>} : memref<32x64xf32, #tpu.memory_space<vmem>>, vector<16xf32>,
    %add3A_208 = arith.addf %get3A_207, %add3A_59 : vector<16xf32>
    %swap3A_209 = arith.constant 16 : i32
    %swap3A_210 = arith.index_cast %swap3A_209 : i32 to index
    %swap3A_211 = arith.constant 0 : index
    %swap3A_212 = tpu.vector_load %arg20[%swap3A_210, %swap3A_211] {strides = array<i32>} : memref<32x64xf32, #tpu.memory_space<vmem>>, vector<16xf32>,
    tpu.vector_store %arg20[%swap3A_210, %swap3A_211], %add3A_208 {strides = array<i32>} : memref<32x64xf32, #tpu.memory_space<vmem>>, vector<16xf32>,
    %get3A_213 = arith.constant 17 : i32
    %get3A_214 = arith.index_cast %get3A_213 : i32 to index
    %get3A_215 = arith.constant 0 : index
    %get3A_216 = tpu.vector_load %arg19[%get3A_214, %get3A_215] {strides = array<i32>} : memref<32x64xf32, #tpu.memory_space<vmem>>, vector<16xf32>,
    %add3A_217 = arith.addf %get3A_216, %add3A_59 : vector<16xf32>
    %swap3A_218 = arith.constant 17 : i32
    %swap3A_219 = arith.index_cast %swap3A_218 : i32 to index
    %swap3A_220 = arith.constant 0 : index
    %swap3A_221 = tpu.vector_load %arg20[%swap3A_219, %swap3A_220] {strides = array<i32>} : memref<32x64xf32, #tpu.memory_space<vmem>>, vector<16xf32>,
    tpu.vector_store %arg20[%swap3A_219, %swap3A_220], %add3A_217 {strides = array<i32>} : memref<32x64xf32, #tpu.memory_space<vmem>>, vector<16xf32>,
    %get3A_222 = arith.constant 18 : i32
    %get3A_223 = arith.index_cast %get3A_222 : i32 to index
    %get3A_224 = arith.constant 0 : index
    %get3A_225 = tpu.vector_load %arg19[%get3A_223, %get3A_224] {strides = array<i32>} : memref<32x64xf32, #tpu.memory_space<vmem>>, vector<16xf32>,
    %add3A_226 = arith.addf %get3A_225, %add3A_59 : vector<16xf32>
    %swap3A_227 = arith.constant 18 : i32
    %swap3A_228 = arith.index_cast %swap3A_227 : i32 to index
    %swap3A_229 = arith.constant 0 : index
    %swap3A_230 = tpu.vector_load %arg20[%swap3A_228, %swap3A_229] {strides = array<i32>} : memref<32x64xf32, #tpu.memory_space<vmem>>, vector<16xf32>,
    tpu.vector_store %arg20[%swap3A_228, %swap3A_229], %add3A_226 {strides = array<i32>} : memref<32x64xf32, #tpu.memory_space<vmem>>, vector<16xf32>,
    %get3A_231 = arith.constant 19 : i32
    %get3A_232 = arith.index_cast %get3A_231 : i32 to index
    %get3A_233 = arith.constant 0 : index
    %get3A_234 = tpu.vector_load %arg19[%get3A_232, %get3A_233] {strides = array<i32>} : memref<32x64xf32, #tpu.memory_space<vmem>>, vector<16xf32>,
    %add3A_235 = arith.addf %get3A_234, %add3A_59 : vector<16xf32>
    %swap3A_236 = arith.constant 19 : i32
    %swap3A_237 = arith.index_cast %swap3A_236 : i32 to index
    %swap3A_238 = arith.constant 0 : index
    %swap3A_239 = tpu.vector_load %arg20[%swap3A_237, %swap3A_238] {strides = array<i32>} : memref<32x64xf32, #tpu.memory_space<vmem>>, vector<16xf32>,
    tpu.vector_store %arg20[%swap3A_237, %swap3A_238], %add3A_235 {strides = array<i32>} : memref<32x64xf32, #tpu.memory_space<vmem>>, vector<16xf32>,
    %get3A_240 = arith.constant 20 : i32
    %get3A_241 = arith.index_cast %get3A_240 : i32 to index
    %get3A_242 = arith.constant 0 : index
    %get3A_243 = tpu.vector_load %arg19[%get3A_241, %get3A_242] {strides = array<i32>} : memref<32x64xf32, #tpu.memory_space<vmem>>, vector<16xf32>,
    %add3A_244 = arith.addf %get3A_243, %add3A_59 : vector<16xf32>
    %swap3A_245 = arith.constant 20 : i32
    %swap3A_246 = arith.index_cast %swap3A_245 : i32 to index
    %swap3A_247 = arith.constant 0 : index
    %swap3A_248 = tpu.vector_load %arg20[%swap3A_246, %swap3A_247] {strides = array<i32>} : memref<32x64xf32, #tpu.memory_space<vmem>>, vector<16xf32>,
    tpu.vector_store %arg20[%swap3A_246, %swap3A_247], %add3A_244 {strides = array<i32>} : memref<32x64xf32, #tpu.memory_space<vmem>>, vector<16xf32>,
    %get3A_249 = arith.constant 21 : i32
    %get3A_250 = arith.index_cast %get3A_249 : i32 to index
    %get3A_251 = arith.constant 0 : index
    %get3A_252 = tpu.vector_load %arg19[%get3A_250, %get3A_251] {strides = array<i32>} : memref<32x64xf32, #tpu.memory_space<vmem>>, vector<16xf32>,
    %add3A_253 = arith.addf %get3A_252, %add3A_59 : vector<16xf32>
    %swap3A_254 = arith.constant 21 : i32
    %swap3A_255 = arith.index_cast %swap3A_254 : i32 to index
    %swap3A_256 = arith.constant 0 : index
    %swap3A_257 = tpu.vector_load %arg20[%swap3A_255, %swap3A_256] {strides = array<i32>} : memref<32x64xf32, #tpu.memory_space<vmem>>, vector<16xf32>,
    tpu.vector_store %arg20[%swap3A_255, %swap3A_256], %add3A_253 {strides = array<i32>} : memref<32x64xf32, #tpu.memory_space<vmem>>, vector<16xf32>,
    %get3A_258 = arith.constant 22 : i32
    %get3A_259 = arith.index_cast %get3A_258 : i32 to index
    %get3A_260 = arith.constant 0 : index
    %get3A_261 = tpu.vector_load %arg19[%get3A_259, %get3A_260] {strides = array<i32>} : memref<32x64xf32, #tpu.memory_space<vmem>>, vector<16xf32>,
    %add3A_262 = arith.addf %get3A_261, %add3A_59 : vector<16xf32>
    %swap3A_263 = arith.constant 22 : i32
    %swap3A_264 = arith.index_cast %swap3A_263 : i32 to index
    %swap3A_265 = arith.constant 0 : index
    %swap3A_266 = tpu.vector_load %arg20[%swap3A_264, %swap3A_265] {strides = array<i32>} : memref<32x64xf32, #tpu.memory_space<vmem>>, vector<16xf32>,
    tpu.vector_store %arg20[%swap3A_264, %swap3A_265], %add3A_262 {strides = array<i32>} : memref<32x64xf32, #tpu.memory_space<vmem>>, vector<16xf32>,
    %get3A_267 = arith.constant 23 : i32
    %get3A_268 = arith.index_cast %get3A_267 : i32 to index
    %get3A_269 = arith.constant 0 : index
    %get3A_270 = tpu.vector_load %arg19[%get3A_268, %get3A_269] {strides = array<i32>} : memref<32x64xf32, #tpu.memory_space<vmem>>, vector<16xf32>,
    %add3A_271 = arith.addf %get3A_270, %add3A_59 : vector<16xf32>
    %swap3A_272 = arith.constant 23 : i32
    %swap3A_273 = arith.index_cast %swap3A_272 : i32 to index
    %swap3A_274 = arith.constant 0 : index
    %swap3A_275 = tpu.vector_load %arg20[%swap3A_273, %swap3A_274] {strides = array<i32>} : memref<32x64xf32, #tpu.memory_space<vmem>>, vector<16xf32>,
    tpu.vector_store %arg20[%swap3A_273, %swap3A_274], %add3A_271 {strides = array<i32>} : memref<32x64xf32, #tpu.memory_space<vmem>>, vector<16xf32>,
    %get3A_276 = arith.constant 24 : i32
    %get3A_277 = arith.index_cast %get3A_276 : i32 to index
    %get3A_278 = arith.constant 0 : index
    %get3A_279 = tpu.vector_load %arg19[%get3A_277, %get3A_278] {strides = array<i32>} : memref<32x64xf32, #tpu.memory_space<vmem>>, vector<16xf32>,
    %add3A_280 = arith.addf %get3A_279, %add3A_59 : vector<16xf32>
    %swap3A_281 = arith.constant 24 : i32
    %swap3A_282 = arith.index_cast %swap3A_281 : i32 to index
    %swap3A_283 = arith.constant 0 : index
    %swap3A_284 = tpu.vector_load %arg20[%swap3A_282, %swap3A_283] {strides = array<i32>} : memref<32x64xf32, #tpu.memory_space<vmem>>, vector<16xf32>,
    tpu.vector_store %arg20[%swap3A_282, %swap3A_283], %add3A_280 {strides = array<i32>} : memref<32x64xf32, #tpu.memory_space<vmem>>, vector<16xf32>,
    %get3A_285 = arith.constant 25 : i32
    %get3A_286 = arith.index_cast %get3A_285 : i32 to index
    %get3A_287 = arith.constant 0 : index
    %get3A_288 = tpu.vector_load %arg19[%get3A_286, %get3A_287] {strides = array<i32>} : memref<32x64xf32, #tpu.memory_space<vmem>>, vector<16xf32>,
    %add3A_289 = arith.addf %get3A_288, %add3A_59 : vector<16xf32>
    %swap3A_290 = arith.constant 25 : i32
    %swap3A_291 = arith.index_cast %swap3A_290 : i32 to index
    %swap3A_292 = arith.constant 0 : index
    %swap3A_293 = tpu.vector_load %arg20[%swap3A_291, %swap3A_292] {strides = array<i32>} : memref<32x64xf32, #tpu.memory_space<vmem>>, vector<16xf32>,
    tpu.vector_store %arg20[%swap3A_291, %swap3A_292], %add3A_289 {strides = array<i32>} : memref<32x64xf32, #tpu.memory_space<vmem>>, vector<16xf32>,
    %get3A_294 = arith.constant 26 : i32
    %get3A_295 = arith.index_cast %get3A_294 : i32 to index
    %get3A_296 = arith.constant 0 : index
    %get3A_297 = tpu.vector_load %arg19[%get3A_295, %get3A_296] {strides = array<i32>} : memref<32x64xf32, #tpu.memory_space<vmem>>, vector<16xf32>,
    %add3A_298 = arith.addf %get3A_297, %add3A_59 : vector<16xf32>
    %swap3A_299 = arith.constant 26 : i32
    %swap3A_300 = arith.index_cast %swap3A_299 : i32 to index
    %swap3A_301 = arith.constant 0 : index
    %swap3A_302 = tpu.vector_load %arg20[%swap3A_300, %swap3A_301] {strides = array<i32>} : memref<32x64xf32, #tpu.memory_space<vmem>>, vector<16xf32>,
    tpu.vector_store %arg20[%swap3A_300, %swap3A_301], %add3A_298 {strides = array<i32>} : memref<32x64xf32, #tpu.memory_space<vmem>>, vector<16xf32>,
    %get3A_303 = arith.constant 27 : i32
    %get3A_304 = arith.index_cast %get3A_303 : i32 to index
    %get3A_305 = arith.constant 0 : index
    %get3A_306 = tpu.vector_load %arg19[%get3A_304, %get3A_305] {strides = array<i32>} : memref<32x64xf32, #tpu.memory_space<vmem>>, vector<16xf32>,
    %add3A_307 = arith.addf %get3A_306, %add3A_59 : vector<16xf32>
    %swap3A_308 = arith.constant 27 : i32
    %swap3A_309 = arith.index_cast %swap3A_308 : i32 to index
    %swap3A_310 = arith.constant 0 : index
    %swap3A_311 = tpu.vector_load %arg20[%swap3A_309, %swap3A_310] {strides = array<i32>} : memref<32x64xf32, #tpu.memory_space<vmem>>, vector<16xf32>,
    tpu.vector_store %arg20[%swap3A_309, %swap3A_310], %add3A_307 {strides = array<i32>} : memref<32x64xf32, #tpu.memory_space<vmem>>, vector<16xf32>,
    %get3A_312 = arith.constant 28 : i32
    %get3A_313 = arith.index_cast %get3A_312 : i32 to index
    %get3A_314 = arith.constant 0 : index
    %get3A_315 = tpu.vector_load %arg19[%get3A_313, %get3A_314] {strides = array<i32>} : memref<32x64xf32, #tpu.memory_space<vmem>>, vector<16xf32>,
    %add3A_316 = arith.addf %get3A_315, %add3A_59 : vector<16xf32>
    %swap3A_317 = arith.constant 28 : i32
    %swap3A_318 = arith.index_cast %swap3A_317 : i32 to index
    %swap3A_319 = arith.constant 0 : index
    %swap3A_320 = tpu.vector_load %arg20[%swap3A_318, %swap3A_319] {strides = array<i32>} : memref<32x64xf32, #tpu.memory_space<vmem>>, vector<16xf32>,
    tpu.vector_store %arg20[%swap3A_318, %swap3A_319], %add3A_316 {strides = array<i32>} : memref<32x64xf32, #tpu.memory_space<vmem>>, vector<16xf32>,
    %get3A_321 = arith.constant 29 : i32
    %get3A_322 = arith.index_cast %get3A_321 : i32 to index
    %get3A_323 = arith.constant 0 : index
    %get3A_324 = tpu.vector_load %arg19[%get3A_322, %get3A_323] {strides = array<i32>} : memref<32x64xf32, #tpu.memory_space<vmem>>, vector<16xf32>,
    %add3A_325 = arith.addf %get3A_324, %add3A_59 : vector<16xf32>
    %swap3A_326 = arith.constant 29 : i32
    %swap3A_327 = arith.index_cast %swap3A_326 : i32 to index
    %swap3A_328 = arith.constant 0 : index
    %swap3A_329 = tpu.vector_load %arg20[%swap3A_327, %swap3A_328] {strides = array<i32>} : memref<32x64xf32, #tpu.memory_space<vmem>>, vector<16xf32>,
    tpu.vector_store %arg20[%swap3A_327, %swap3A_328], %add3A_325 {strides = array<i32>} : memref<32x64xf32, #tpu.memory_space<vmem>>, vector<16xf32>,
    %get3A_330 = arith.constant 30 : i32
    %get3A_331 = arith.index_cast %get3A_330 : i32 to index
    %get3A_332 = arith.constant 0 : index
    %get3A_333 = tpu.vector_load %arg19[%get3A_331, %get3A_332] {strides = array<i32>} : memref<32x64xf32, #tpu.memory_space<vmem>>, vector<16xf32>,
    %add3A_334 = arith.addf %get3A_333, %add3A_59 : vector<16xf32>
    %swap3A_335 = arith.constant 30 : i32
    %swap3A_336 = arith.index_cast %swap3A_335 : i32 to index
    %swap3A_337 = arith.constant 0 : index
    %swap3A_338 = tpu.vector_load %arg20[%swap3A_336, %swap3A_337] {strides = array<i32>} : memref<32x64xf32, #tpu.memory_space<vmem>>, vector<16xf32>,
    tpu.vector_store %arg20[%swap3A_336, %swap3A_337], %add3A_334 {strides = array<i32>} : memref<32x64xf32, #tpu.memory_space<vmem>>, vector<16xf32>,
    %get3A_339 = arith.constant 31 : i32
    %get3A_340 = arith.index_cast %get3A_339 : i32 to index
    %get3A_341 = arith.constant 0 : index
    %get3A_342 = tpu.vector_load %arg19[%get3A_340, %get3A_341] {strides = array<i32>} : memref<32x64xf32, #tpu.memory_space<vmem>>, vector<16xf32>,
    %add3A_343 = arith.addf %get3A_342, %add3A_59 : vector<16xf32>
    %swap3A_344 = arith.constant 31 : i32
    %swap3A_345 = arith.index_cast %swap3A_344 : i32 to index
    %swap3A_346 = arith.constant 0 : index
    %swap3A_347 = tpu.vector_load %arg20[%swap3A_345, %swap3A_346] {strides = array<i32>} : memref<32x64xf32, #tpu.memory_space<vmem>>, vector<16xf32>,
    tpu.vector_store %arg20[%swap3A_345, %swap3A_346], %add3A_343 {strides = array<i32>} : memref<32x64xf32, #tpu.memory_space<vmem>>, vector<16xf32>,
    %get3A_348 = arith.index_cast %select_n3A : i32 to index
    %get3A_349 = arith.constant 16 : index
    %get3A_350 = tpu.vector_load %arg17[%get3A_348, %get3A_349] {strides = array<i32>} : memref<16x64xf32, #tpu.memory_space<vmem>>, vector<16xf32>,
    %get3A_351 = arith.index_cast %select_n3A : i32 to index
    %get3A_352 = arith.constant 16 : index
    %get3A_353 = tpu.vector_load %arg18[%get3A_351, %get3A_352] {strides = array<i32>} : memref<16x64xf32, #tpu.memory_space<vmem>>, vector<16xf32>,
    %add3A_354 = arith.addf %get3A_350, %get3A_353 : vector<16xf32>
    %get3A_355 = arith.constant 0 : i32
    %get3A_356 = arith.index_cast %get3A_355 : i32 to index
    %get3A_357 = arith.constant 16 : index
    %get3A_358 = tpu.vector_load %arg19[%get3A_356, %get3A_357] {strides = array<i32>} : memref<32x64xf32, #tpu.memory_space<vmem>>, vector<16xf32>,
    %add3A_359 = arith.addf %get3A_358, %add3A_354 : vector<16xf32>
    %swap3A_360 = arith.constant 0 : i32
    %swap3A_361 = arith.index_cast %swap3A_360 : i32 to index
    %swap3A_362 = arith.constant 16 : index
    %swap3A_363 = tpu.vector_load %arg20[%swap3A_361, %swap3A_362] {strides = array<i32>} : memref<32x64xf32, #tpu.memory_space<vmem>>, vector<16xf32>,
    tpu.vector_store %arg20[%swap3A_361, %swap3A_362], %add3A_359 {strides = array<i32>} : memref<32x64xf32, #tpu.memory_space<vmem>>, vector<16xf32>,
    %get3A_364 = arith.constant 1 : i32
    %get3A_365 = arith.index_cast %get3A_364 : i32 to index
    %get3A_366 = arith.constant 16 : index
    %get3A_367 = tpu.vector_load %arg19[%get3A_365, %get3A_366] {strides = array<i32>} : memref<32x64xf32, #tpu.memory_space<vmem>>, vector<16xf32>,
    %add3A_368 = arith.addf %get3A_367, %add3A_354 : vector<16xf32>
    %swap3A_369 = arith.constant 1 : i32
    %swap3A_370 = arith.index_cast %swap3A_369 : i32 to index
    %swap3A_371 = arith.constant 16 : index
    %swap3A_372 = tpu.vector_load %arg20[%swap3A_370, %swap3A_371] {strides = array<i32>} : memref<32x64xf32, #tpu.memory_space<vmem>>, vector<16xf32>,
    tpu.vector_store %arg20[%swap3A_370, %swap3A_371], %add3A_368 {strides = array<i32>} : memref<32x64xf32, #tpu.memory_space<vmem>>, vector<16xf32>,
    %get3A_373 = arith.constant 2 : i32
    %get3A_374 = arith.index_cast %get3A_373 : i32 to index
    %get3A_375 = arith.constant 16 : index
    %get3A_376 = tpu.vector_load %arg19[%get3A_374, %get3A_375] {strides = array<i32>} : memref<32x64xf32, #tpu.memory_space<vmem>>, vector<16xf32>,
    %add3A_377 = arith.addf %get3A_376, %add3A_354 : vector<16xf32>
    %swap3A_378 = arith.constant 2 : i32
    %swap3A_379 = arith.index_cast %swap3A_378 : i32 to index
    %swap3A_380 = arith.constant 16 : index
    %swap3A_381 = tpu.vector_load %arg20[%swap3A_379, %swap3A_380] {strides = array<i32>} : memref<32x64xf32, #tpu.memory_space<vmem>>, vector<16xf32>,
    tpu.vector_store %arg20[%swap3A_379, %swap3A_380], %add3A_377 {strides = array<i32>} : memref<32x64xf32, #tpu.memory_space<vmem>>, vector<16xf32>,
    %get3A_382 = arith.constant 3 : i32
    %get3A_383 = arith.index_cast %get3A_382 : i32 to index
    %get3A_384 = arith.constant 16 : index
    %get3A_385 = tpu.vector_load %arg19[%get3A_383, %get3A_384] {strides = array<i32>} : memref<32x64xf32, #tpu.memory_space<vmem>>, vector<16xf32>,
    %add3A_386 = arith.addf %get3A_385, %add3A_354 : vector<16xf32>
    %swap3A_387 = arith.constant 3 : i32
    %swap3A_388 = arith.index_cast %swap3A_387 : i32 to index
    %swap3A_389 = arith.constant 16 : index
    %swap3A_390 = tpu.vector_load %arg20[%swap3A_388, %swap3A_389] {strides = array<i32>} : memref<32x64xf32, #tpu.memory_space<vmem>>, vector<16xf32>,
    tpu.vector_store %arg20[%swap3A_388, %swap3A_389], %add3A_386 {strides = array<i32>} : memref<32x64xf32, #tpu.memory_space<vmem>>, vector<16xf32>,
    %get3A_391 = arith.constant 4 : i32
    %get3A_392 = arith.index_cast %get3A_391 : i32 to index
    %get3A_393 = arith.constant 16 : index
    %get3A_394 = tpu.vector_load %arg19[%get3A_392, %get3A_393] {strides = array<i32>} : memref<32x64xf32, #tpu.memory_space<vmem>>, vector<16xf32>,
    %add3A_395 = arith.addf %get3A_394, %add3A_354 : vector<16xf32>
    %swap3A_396 = arith.constant 4 : i32
    %swap3A_397 = arith.index_cast %swap3A_396 : i32 to index
    %swap3A_398 = arith.constant 16 : index
    %swap3A_399 = tpu.vector_load %arg20[%swap3A_397, %swap3A_398] {strides = array<i32>} : memref<32x64xf32, #tpu.memory_space<vmem>>, vector<16xf32>,
    tpu.vector_store %arg20[%swap3A_397, %swap3A_398], %add3A_395 {strides = array<i32>} : memref<32x64xf32, #tpu.memory_space<vmem>>, vector<16xf32>,
    %get3A_400 = arith.constant 5 : i32
    %get3A_401 = arith.index_cast %get3A_400 : i32 to index
    %get3A_402 = arith.constant 16 : index
    %get3A_403 = tpu.vector_load %arg19[%get3A_401, %get3A_402] {strides = array<i32>} : memref<32x64xf32, #tpu.memory_space<vmem>>, vector<16xf32>,
    %add3A_404 = arith.addf %get3A_403, %add3A_354 : vector<16xf32>
    %swap3A_405 = arith.constant 5 : i32
    %swap3A_406 = arith.index_cast %swap3A_405 : i32 to index
    %swap3A_407 = arith.constant 16 : index
    %swap3A_408 = tpu.vector_load %arg20[%swap3A_406, %swap3A_407] {strides = array<i32>} : memref<32x64xf32, #tpu.memory_space<vmem>>, vector<16xf32>,
    tpu.vector_store %arg20[%swap3A_406, %swap3A_407], %add3A_404 {strides = array<i32>} : memref<32x64xf32, #tpu.memory_space<vmem>>, vector<16xf32>,
    %get3A_409 = arith.constant 6 : i32
    %get3A_410 = arith.index_cast %get3A_409 : i32 to index
    %get3A_411 = arith.constant 16 : index
    %get3A_412 = tpu.vector_load %arg19[%get3A_410, %get3A_411] {strides = array<i32>} : memref<32x64xf32, #tpu.memory_space<vmem>>, vector<16xf32>,
    %add3A_413 = arith.addf %get3A_412, %add3A_354 : vector<16xf32>
    %swap3A_414 = arith.constant 6 : i32
    %swap3A_415 = arith.index_cast %swap3A_414 : i32 to index
    %swap3A_416 = arith.constant 16 : index
    %swap3A_417 = tpu.vector_load %arg20[%swap3A_415, %swap3A_416] {strides = array<i32>} : memref<32x64xf32, #tpu.memory_space<vmem>>, vector<16xf32>,
    tpu.vector_store %arg20[%swap3A_415, %swap3A_416], %add3A_413 {strides = array<i32>} : memref<32x64xf32, #tpu.memory_space<vmem>>, vector<16xf32>,
    %get3A_418 = arith.constant 7 : i32
    %get3A_419 = arith.index_cast %get3A_418 : i32 to index
    %get3A_420 = arith.constant 16 : index
    %get3A_421 = tpu.vector_load %arg19[%get3A_419, %get3A_420] {strides = array<i32>} : memref<32x64xf32, #tpu.memory_space<vmem>>, vector<16xf32>,
    %add3A_422 = arith.addf %get3A_421, %add3A_354 : vector<16xf32>
    %swap3A_423 = arith.constant 7 : i32
    %swap3A_424 = arith.index_cast %swap3A_423 : i32 to index
    %swap3A_425 = arith.constant 16 : index
    %swap3A_426 = tpu.vector_load %arg20[%swap3A_424, %swap3A_425] {strides = array<i32>} : memref<32x64xf32, #tpu.memory_space<vmem>>, vector<16xf32>,
    tpu.vector_store %arg20[%swap3A_424, %swap3A_425], %add3A_422 {strides = array<i32>} : memref<32x64xf32, #tpu.memory_space<vmem>>, vector<16xf32>,
    %get3A_427 = arith.constant 8 : i32
    %get3A_428 = arith.index_cast %get3A_427 : i32 to index
    %get3A_429 = arith.constant 16 : index
    %get3A_430 = tpu.vector_load %arg19[%get3A_428, %get3A_429] {strides = array<i32>} : memref<32x64xf32, #tpu.memory_space<vmem>>, vector<16xf32>,
    %add3A_431 = arith.addf %get3A_430, %add3A_354 : vector<16xf32>
    %swap3A_432 = arith.constant 8 : i32
    %swap3A_433 = arith.index_cast %swap3A_432 : i32 to index
    %swap3A_434 = arith.constant 16 : index
    %swap3A_435 = tpu.vector_load %arg20[%swap3A_433, %swap3A_434] {strides = array<i32>} : memref<32x64xf32, #tpu.memory_space<vmem>>, vector<16xf32>,
    tpu.vector_store %arg20[%swap3A_433, %swap3A_434], %add3A_431 {strides = array<i32>} : memref<32x64xf32, #tpu.memory_space<vmem>>, vector<16xf32>,
    %get3A_436 = arith.constant 9 : i32
    %get3A_437 = arith.index_cast %get3A_436 : i32 to index
    %get3A_438 = arith.constant 16 : index
    %get3A_439 = tpu.vector_load %arg19[%get3A_437, %get3A_438] {strides = array<i32>} : memref<32x64xf32, #tpu.memory_space<vmem>>, vector<16xf32>,
    %add3A_440 = arith.addf %get3A_439, %add3A_354 : vector<16xf32>
    %swap3A_441 = arith.constant 9 : i32
    %swap3A_442 = arith.index_cast %swap3A_441 : i32 to index
    %swap3A_443 = arith.constant 16 : index
    %swap3A_444 = tpu.vector_load %arg20[%swap3A_442, %swap3A_443] {strides = array<i32>} : memref<32x64xf32, #tpu.memory_space<vmem>>, vector<16xf32>,
    tpu.vector_store %arg20[%swap3A_442, %swap3A_443], %add3A_440 {strides = array<i32>} : memref<32x64xf32, #tpu.memory_space<vmem>>, vector<16xf32>,
    %get3A_445 = arith.constant 10 : i32
    %get3A_446 = arith.index_cast %get3A_445 : i32 to index
    %get3A_447 = arith.constant 16 : index
    %get3A_448 = tpu.vector_load %arg19[%get3A_446, %get3A_447] {strides = array<i32>} : memref<32x64xf32, #tpu.memory_space<vmem>>, vector<16xf32>,
    %add3A_449 = arith.addf %get3A_448, %add3A_354 : vector<16xf32>
    %swap3A_450 = arith.constant 10 : i32
    %swap3A_451 = arith.index_cast %swap3A_450 : i32 to index
    %swap3A_452 = arith.constant 16 : index
    %swap3A_453 = tpu.vector_load %arg20[%swap3A_451, %swap3A_452] {strides = array<i32>} : memref<32x64xf32, #tpu.memory_space<vmem>>, vector<16xf32>,
    tpu.vector_store %arg20[%swap3A_451, %swap3A_452], %add3A_449 {strides = array<i32>} : memref<32x64xf32, #tpu.memory_space<vmem>>, vector<16xf32>,
    %get3A_454 = arith.constant 11 : i32
    %get3A_455 = arith.index_cast %get3A_454 : i32 to index
    %get3A_456 = arith.constant 16 : index
    %get3A_457 = tpu.vector_load %arg19[%get3A_455, %get3A_456] {strides = array<i32>} : memref<32x64xf32, #tpu.memory_space<vmem>>, vector<16xf32>,
    %add3A_458 = arith.addf %get3A_457, %add3A_354 : vector<16xf32>
    %swap3A_459 = arith.constant 11 : i32
    %swap3A_460 = arith.index_cast %swap3A_459 : i32 to index
    %swap3A_461 = arith.constant 16 : index
    %swap3A_462 = tpu.vector_load %arg20[%swap3A_460, %swap3A_461] {strides = array<i32>} : memref<32x64xf32, #tpu.memory_space<vmem>>, vector<16xf32>,
    tpu.vector_store %arg20[%swap3A_460, %swap3A_461], %add3A_458 {strides = array<i32>} : memref<32x64xf32, #tpu.memory_space<vmem>>, vector<16xf32>,
    %get3A_463 = arith.constant 12 : i32
    %get3A_464 = arith.index_cast %get3A_463 : i32 to index
    %get3A_465 = arith.constant 16 : index
    %get3A_466 = tpu.vector_load %arg19[%get3A_464, %get3A_465] {strides = array<i32>} : memref<32x64xf32, #tpu.memory_space<vmem>>, vector<16xf32>,
    %add3A_467 = arith.addf %get3A_466, %add3A_354 : vector<16xf32>
    %swap3A_468 = arith.constant 12 : i32
    %swap3A_469 = arith.index_cast %swap3A_468 : i32 to index
    %swap3A_470 = arith.constant 16 : index
    %swap3A_471 = tpu.vector_load %arg20[%swap3A_469, %swap3A_470] {strides = array<i32>} : memref<32x64xf32, #tpu.memory_space<vmem>>, vector<16xf32>,
    tpu.vector_store %arg20[%swap3A_469, %swap3A_470], %add3A_467 {strides = array<i32>} : memref<32x64xf32, #tpu.memory_space<vmem>>, vector<16xf32>,
    %get3A_472 = arith.constant 13 : i32
    %get3A_473 = arith.index_cast %get3A_472 : i32 to index
    %get3A_474 = arith.constant 16 : index
    %get3A_475 = tpu.vector_load %arg19[%get3A_473, %get3A_474] {strides = array<i32>} : memref<32x64xf32, #tpu.memory_space<vmem>>, vector<16xf32>,
    %add3A_476 = arith.addf %get3A_475, %add3A_354 : vector<16xf32>
    %swap3A_477 = arith.constant 13 : i32
    %swap3A_478 = arith.index_cast %swap3A_477 : i32 to index
    %swap3A_479 = arith.constant 16 : index
    %swap3A_480 = tpu.vector_load %arg20[%swap3A_478, %swap3A_479] {strides = array<i32>} : memref<32x64xf32, #tpu.memory_space<vmem>>, vector<16xf32>,
    tpu.vector_store %arg20[%swap3A_478, %swap3A_479], %add3A_476 {strides = array<i32>} : memref<32x64xf32, #tpu.memory_space<vmem>>, vector<16xf32>,
    %get3A_481 = arith.constant 14 : i32
    %get3A_482 = arith.index_cast %get3A_481 : i32 to index
    %get3A_483 = arith.constant 16 : index
    %get3A_484 = tpu.vector_load %arg19[%get3A_482, %get3A_483] {strides = array<i32>} : memref<32x64xf32, #tpu.memory_space<vmem>>, vector<16xf32>,
    %add3A_485 = arith.addf %get3A_484, %add3A_354 : vector<16xf32>
    %swap3A_486 = arith.constant 14 : i32
    %swap3A_487 = arith.index_cast %swap3A_486 : i32 to index
    %swap3A_488 = arith.constant 16 : index
    %swap3A_489 = tpu.vector_load %arg20[%swap3A_487, %swap3A_488] {strides = array<i32>} : memref<32x64xf32, #tpu.memory_space<vmem>>, vector<16xf32>,
    tpu.vector_store %arg20[%swap3A_487, %swap3A_488], %add3A_485 {strides = array<i32>} : memref<32x64xf32, #tpu.memory_space<vmem>>, vector<16xf32>,
    %get3A_490 = arith.constant 15 : i32
    %get3A_491 = arith.index_cast %get3A_490 : i32 to index
    %get3A_492 = arith.constant 16 : index
    %get3A_493 = tpu.vector_load %arg19[%get3A_491, %get3A_492] {strides = array<i32>} : memref<32x64xf32, #tpu.memory_space<vmem>>, vector<16xf32>,
    %add3A_494 = arith.addf %get3A_493, %add3A_354 : vector<16xf32>
    %swap3A_495 = arith.constant 15 : i32
    %swap3A_496 = arith.index_cast %swap3A_495 : i32 to index
    %swap3A_497 = arith.constant 16 : index
    %swap3A_498 = tpu.vector_load %arg20[%swap3A_496, %swap3A_497] {strides = array<i32>} : memref<32x64xf32, #tpu.memory_space<vmem>>, vector<16xf32>,
    tpu.vector_store %arg20[%swap3A_496, %swap3A_497], %add3A_494 {strides = array<i32>} : memref<32x64xf32, #tpu.memory_space<vmem>>, vector<16xf32>,
    %get3A_499 = arith.constant 16 : i32
    %get3A_500 = arith.index_cast %get3A_499 : i32 to index
    %get3A_501 = arith.constant 16 : index
    %get3A_502 = tpu.vector_load %arg19[%get3A_500, %get3A_501] {strides = array<i32>} : memref<32x64xf32, #tpu.memory_space<vmem>>, vector<16xf32>,
    %add3A_503 = arith.addf %get3A_502, %add3A_354 : vector<16xf32>
    %swap3A_504 = arith.constant 16 : i32
    %swap3A_505 = arith.index_cast %swap3A_504 : i32 to index
    %swap3A_506 = arith.constant 16 : index
    %swap3A_507 = tpu.vector_load %arg20[%swap3A_505, %swap3A_506] {strides = array<i32>} : memref<32x64xf32, #tpu.memory_space<vmem>>, vector<16xf32>,
    tpu.vector_store %arg20[%swap3A_505, %swap3A_506], %add3A_503 {strides = array<i32>} : memref<32x64xf32, #tpu.memory_space<vmem>>, vector<16xf32>,
    %get3A_508 = arith.constant 17 : i32
    %get3A_509 = arith.index_cast %get3A_508 : i32 to index
    %get3A_510 = arith.constant 16 : index
    %get3A_511 = tpu.vector_load %arg19[%get3A_509, %get3A_510] {strides = array<i32>} : memref<32x64xf32, #tpu.memory_space<vmem>>, vector<16xf32>,
    %add3A_512 = arith.addf %get3A_511, %add3A_354 : vector<16xf32>
    %swap3A_513 = arith.constant 17 : i32
    %swap3A_514 = arith.index_cast %swap3A_513 : i32 to index
    %swap3A_515 = arith.constant 16 : index
    %swap3A_516 = tpu.vector_load %arg20[%swap3A_514, %swap3A_515] {strides = array<i32>} : memref<32x64xf32, #tpu.memory_space<vmem>>, vector<16xf32>,
    tpu.vector_store %arg20[%swap3A_514, %swap3A_515], %add3A_512 {strides = array<i32>} : memref<32x64xf32, #tpu.memory_space<vmem>>, vector<16xf32>,
    %get3A_517 = arith.constant 18 : i32
    %get3A_518 = arith.index_cast %get3A_517 : i32 to index
    %get3A_519 = arith.constant 16 : index
    %get3A_520 = tpu.vector_load %arg19[%get3A_518, %get3A_519] {strides = array<i32>} : memref<32x64xf32, #tpu.memory_space<vmem>>, vector<16xf32>,
    %add3A_521 = arith.addf %get3A_520, %add3A_354 : vector<16xf32>
    %swap3A_522 = arith.constant 18 : i32
    %swap3A_523 = arith.index_cast %swap3A_522 : i32 to index
    %swap3A_524 = arith.constant 16 : index
    %swap3A_525 = tpu.vector_load %arg20[%swap3A_523, %swap3A_524] {strides = array<i32>} : memref<32x64xf32, #tpu.memory_space<vmem>>, vector<16xf32>,
    tpu.vector_store %arg20[%swap3A_523, %swap3A_524], %add3A_521 {strides = array<i32>} : memref<32x64xf32, #tpu.memory_space<vmem>>, vector<16xf32>,
    %get3A_526 = arith.constant 19 : i32
    %get3A_527 = arith.index_cast %get3A_526 : i32 to index
    %get3A_528 = arith.constant 16 : index
    %get3A_529 = tpu.vector_load %arg19[%get3A_527, %get3A_528] {strides = array<i32>} : memref<32x64xf32, #tpu.memory_space<vmem>>, vector<16xf32>,
    %add3A_530 = arith.addf %get3A_529, %add3A_354 : vector<16xf32>
    %swap3A_531 = arith.constant 19 : i32
    %swap3A_532 = arith.index_cast %swap3A_531 : i32 to index
    %swap3A_533 = arith.constant 16 : index
    %swap3A_534 = tpu.vector_load %arg20[%swap3A_532, %swap3A_533] {strides = array<i32>} : memref<32x64xf32, #tpu.memory_space<vmem>>, vector<16xf32>,
    tpu.vector_store %arg20[%swap3A_532, %swap3A_533], %add3A_530 {strides = array<i32>} : memref<32x64xf32, #tpu.memory_space<vmem>>, vector<16xf32>,
    %get3A_535 = arith.constant 20 : i32
    %get3A_536 = arith.index_cast %get3A_535 : i32 to index
    %get3A_537 = arith.constant 16 : index
    %get3A_538 = tpu.vector_load %arg19[%get3A_536, %get3A_537] {strides = array<i32>} : memref<32x64xf32, #tpu.memory_space<vmem>>, vector<16xf32>,
    %add3A_539 = arith.addf %get3A_538, %add3A_354 : vector<16xf32>
    %swap3A_540 = arith.constant 20 : i32
    %swap3A_541 = arith.index_cast %swap3A_540 : i32 to index
    %swap3A_542 = arith.constant 16 : index
    %swap3A_543 = tpu.vector_load %arg20[%swap3A_541, %swap3A_542] {strides = array<i32>} : memref<32x64xf32, #tpu.memory_space<vmem>>, vector<16xf32>,
    tpu.vector_store %arg20[%swap3A_541, %swap3A_542], %add3A_539 {strides = array<i32>} : memref<32x64xf32, #tpu.memory_space<vmem>>, vector<16xf32>,
    %get3A_544 = arith.constant 21 : i32
    %get3A_545 = arith.index_cast %get3A_544 : i32 to index
    %get3A_546 = arith.constant 16 : index
    %get3A_547 = tpu.vector_load %arg19[%get3A_545, %get3A_546] {strides = array<i32>} : memref<32x64xf32, #tpu.memory_space<vmem>>, vector<16xf32>,
    %add3A_548 = arith.addf %get3A_547, %add3A_354 : vector<16xf32>
    %swap3A_549 = arith.constant 21 : i32
    %swap3A_550 = arith.index_cast %swap3A_549 : i32 to index
    %swap3A_551 = arith.constant 16 : index
    %swap3A_552 = tpu.vector_load %arg20[%swap3A_550, %swap3A_551] {strides = array<i32>} : memref<32x64xf32, #tpu.memory_space<vmem>>, vector<16xf32>,
    tpu.vector_store %arg20[%swap3A_550, %swap3A_551], %add3A_548 {strides = array<i32>} : memref<32x64xf32, #tpu.memory_space<vmem>>, vector<16xf32>,
    %get3A_553 = arith.constant 22 : i32
    %get3A_554 = arith.index_cast %get3A_553 : i32 to index
    %get3A_555 = arith.constant 16 : index
    %get3A_556 = tpu.vector_load %arg19[%get3A_554, %get3A_555] {strides = array<i32>} : memref<32x64xf32, #tpu.memory_space<vmem>>, vector<16xf32>,
    %add3A_557 = arith.addf %get3A_556, %add3A_354 : vector<16xf32>
    %swap3A_558 = arith.constant 22 : i32
    %swap3A_559 = arith.index_cast %swap3A_558 : i32 to index
    %swap3A_560 = arith.constant 16 : index
    %swap3A_561 = tpu.vector_load %arg20[%swap3A_559, %swap3A_560] {strides = array<i32>} : memref<32x64xf32, #tpu.memory_space<vmem>>, vector<16xf32>,
    tpu.vector_store %arg20[%swap3A_559, %swap3A_560], %add3A_557 {strides = array<i32>} : memref<32x64xf32, #tpu.memory_space<vmem>>, vector<16xf32>,
    %get3A_562 = arith.constant 23 : i32
    %get3A_563 = arith.index_cast %get3A_562 : i32 to index
    %get3A_564 = arith.constant 16 : index
    %get3A_565 = tpu.vector_load %arg19[%get3A_563, %get3A_564] {strides = array<i32>} : memref<32x64xf32, #tpu.memory_space<vmem>>, vector<16xf32>,
    %add3A_566 = arith.addf %get3A_565, %add3A_354 : vector<16xf32>
    %swap3A_567 = arith.constant 23 : i32
    %swap3A_568 = arith.index_cast %swap3A_567 : i32 to index
    %swap3A_569 = arith.constant 16 : index
    %swap3A_570 = tpu.vector_load %arg20[%swap3A_568, %swap3A_569] {strides = array<i32>} : memref<32x64xf32, #tpu.memory_space<vmem>>, vector<16xf32>,
    tpu.vector_store %arg20[%swap3A_568, %swap3A_569], %add3A_566 {strides = array<i32>} : memref<32x64xf32, #tpu.memory_space<vmem>>, vector<16xf32>,
    %get3A_571 = arith.constant 24 : i32
    %get3A_572 = arith.index_cast %get3A_571 : i32 to index
    %get3A_573 = arith.constant 16 : index
    %get3A_574 = tpu.vector_load %arg19[%get3A_572, %get3A_573] {strides = array<i32>} : memref<32x64xf32, #tpu.memory_space<vmem>>, vector<16xf32>,
    %add3A_575 = arith.addf %get3A_574, %add3A_354 : vector<16xf32>
    %swap3A_576 = arith.constant 24 : i32
    %swap3A_577 = arith.index_cast %swap3A_576 : i32 to index
    %swap3A_578 = arith.constant 16 : index
    %swap3A_579 = tpu.vector_load %arg20[%swap3A_577, %swap3A_578] {strides = array<i32>} : memref<32x64xf32, #tpu.memory_space<vmem>>, vector<16xf32>,
    tpu.vector_store %arg20[%swap3A_577, %swap3A_578], %add3A_575 {strides = array<i32>} : memref<32x64xf32, #tpu.memory_space<vmem>>, vector<16xf32>,
    %get3A_580 = arith.constant 25 : i32
    %get3A_581 = arith.index_cast %get3A_580 : i32 to index
    %get3A_582 = arith.constant 16 : index
    %get3A_583 = tpu.vector_load %arg19[%get3A_581, %get3A_582] {strides = array<i32>} : memref<32x64xf32, #tpu.memory_space<vmem>>, vector<16xf32>,
    %add3A_584 = arith.addf %get3A_583, %add3A_354 : vector<16xf32>
    %swap3A_585 = arith.constant 25 : i32
    %swap3A_586 = arith.index_cast %swap3A_585 : i32 to index
    %swap3A_587 = arith.constant 16 : index
    %swap3A_588 = tpu.vector_load %arg20[%swap3A_586, %swap3A_587] {strides = array<i32>} : memref<32x64xf32, #tpu.memory_space<vmem>>, vector<16xf32>,
    tpu.vector_store %arg20[%swap3A_586, %swap3A_587], %add3A_584 {strides = array<i32>} : memref<32x64xf32, #tpu.memory_space<vmem>>, vector<16xf32>,
    %get3A_589 = arith.constant 26 : i32
    %get3A_590 = arith.index_cast %get3A_589 : i32 to index
    %get3A_591 = arith.constant 16 : index
    %get3A_592 = tpu.vector_load %arg19[%get3A_590, %get3A_591] {strides = array<i32>} : memref<32x64xf32, #tpu.memory_space<vmem>>, vector<16xf32>,
    %add3A_593 = arith.addf %get3A_592, %add3A_354 : vector<16xf32>
    %swap3A_594 = arith.constant 26 : i32
    %swap3A_595 = arith.index_cast %swap3A_594 : i32 to index
    %swap3A_596 = arith.constant 16 : index
    %swap3A_597 = tpu.vector_load %arg20[%swap3A_595, %swap3A_596] {strides = array<i32>} : memref<32x64xf32, #tpu.memory_space<vmem>>, vector<16xf32>,
    tpu.vector_store %arg20[%swap3A_595, %swap3A_596], %add3A_593 {strides = array<i32>} : memref<32x64xf32, #tpu.memory_space<vmem>>, vector<16xf32>,
    %get3A_598 = arith.constant 27 : i32
    %get3A_599 = arith.index_cast %get3A_598 : i32 to index
    %get3A_600 = arith.constant 16 : index
    %get3A_601 = tpu.vector_load %arg19[%get3A_599, %get3A_600] {strides = array<i32>} : memref<32x64xf32, #tpu.memory_space<vmem>>, vector<16xf32>,
    %add3A_602 = arith.addf %get3A_601, %add3A_354 : vector<16xf32>
    %swap3A_603 = arith.constant 27 : i32
    %swap3A_604 = arith.index_cast %swap3A_603 : i32 to index
    %swap3A_605 = arith.constant 16 : index
    %swap3A_606 = tpu.vector_load %arg20[%swap3A_604, %swap3A_605] {strides = array<i32>} : memref<32x64xf32, #tpu.memory_space<vmem>>, vector<16xf32>,
    tpu.vector_store %arg20[%swap3A_604, %swap3A_605], %add3A_602 {strides = array<i32>} : memref<32x64xf32, #tpu.memory_space<vmem>>, vector<16xf32>,
    %get3A_607 = arith.constant 28 : i32
    %get3A_608 = arith.index_cast %get3A_607 : i32 to index
    %get3A_609 = arith.constant 16 : index
    %get3A_610 = tpu.vector_load %arg19[%get3A_608, %get3A_609] {strides = array<i32>} : memref<32x64xf32, #tpu.memory_space<vmem>>, vector<16xf32>,
    %add3A_611 = arith.addf %get3A_610, %add3A_354 : vector<16xf32>
    %swap3A_612 = arith.constant 28 : i32
    %swap3A_613 = arith.index_cast %swap3A_612 : i32 to index
    %swap3A_614 = arith.constant 16 : index
    %swap3A_615 = tpu.vector_load %arg20[%swap3A_613, %swap3A_614] {strides = array<i32>} : memref<32x64xf32, #tpu.memory_space<vmem>>, vector<16xf32>,
    tpu.vector_store %arg20[%swap3A_613, %swap3A_614], %add3A_611 {strides = array<i32>} : memref<32x64xf32, #tpu.memory_space<vmem>>, vector<16xf32>,
    %get3A_616 = arith.constant 29 : i32
    %get3A_617 = arith.index_cast %get3A_616 : i32 to index
    %get3A_618 = arith.constant 16 : index
    %get3A_619 = tpu.vector_load %arg19[%get3A_617, %get3A_618] {strides = array<i32>} : memref<32x64xf32, #tpu.memory_space<vmem>>, vector<16xf32>,
    %add3A_620 = arith.addf %get3A_619, %add3A_354 : vector<16xf32>
    %swap3A_621 = arith.constant 29 : i32
    %swap3A_622 = arith.index_cast %swap3A_621 : i32 to index
    %swap3A_623 = arith.constant 16 : index
    %swap3A_624 = tpu.vector_load %arg20[%swap3A_622, %swap3A_623] {strides = array<i32>} : memref<32x64xf32, #tpu.memory_space<vmem>>, vector<16xf32>,
    tpu.vector_store %arg20[%swap3A_622, %swap3A_623], %add3A_620 {strides = array<i32>} : memref<32x64xf32, #tpu.memory_space<vmem>>, vector<16xf32>,
    %get3A_625 = arith.constant 30 : i32
    %get3A_626 = arith.index_cast %get3A_625 : i32 to index
    %get3A_627 = arith.constant 16 : index
    %get3A_628 = tpu.vector_load %arg19[%get3A_626, %get3A_627] {strides = array<i32>} : memref<32x64xf32, #tpu.memory_space<vmem>>, vector<16xf32>,
    %add3A_629 = arith.addf %get3A_628, %add3A_354 : vector<16xf32>
    %swap3A_630 = arith.constant 30 : i32
    %swap3A_631 = arith.index_cast %swap3A_630 : i32 to index
    %swap3A_632 = arith.constant 16 : index
    %swap3A_633 = tpu.vector_load %arg20[%swap3A_631, %swap3A_632] {strides = array<i32>} : memref<32x64xf32, #tpu.memory_space<vmem>>, vector<16xf32>,
    tpu.vector_store %arg20[%swap3A_631, %swap3A_632], %add3A_629 {strides = array<i32>} : memref<32x64xf32, #tpu.memory_space<vmem>>, vector<16xf32>,
    %get3A_634 = arith.constant 31 : i32
    %get3A_635 = arith.index_cast %get3A_634 : i32 to index
    %get3A_636 = arith.constant 16 : index
    %get3A_637 = tpu.vector_load %arg19[%get3A_635, %get3A_636] {strides = array<i32>} : memref<32x64xf32, #tpu.memory_space<vmem>>, vector<16xf32>,
    %add3A_638 = arith.addf %get3A_637, %add3A_354 : vector<16xf32>
    %swap3A_639 = arith.constant 31 : i32
    %swap3A_640 = arith.index_cast %swap3A_639 : i32 to index
    %swap3A_641 = arith.constant 16 : index
    %swap3A_642 = tpu.vector_load %arg20[%swap3A_640, %swap3A_641] {strides = array<i32>} : memref<32x64xf32, #tpu.memory_space<vmem>>, vector<16xf32>,
    tpu.vector_store %arg20[%swap3A_640, %swap3A_641], %add3A_638 {strides = array<i32>} : memref<32x64xf32, #tpu.memory_space<vmem>>, vector<16xf32>,
    %get3A_643 = arith.index_cast %select_n3A : i32 to index
    %get3A_644 = arith.constant 32 : index
    %get3A_645 = tpu.vector_load %arg17[%get3A_643, %get3A_644] {strides = array<i32>} : memref<16x64xf32, #tpu.memory_space<vmem>>, vector<16xf32>,
    %get3A_646 = arith.index_cast %select_n3A : i32 to index
    %get3A_647 = arith.constant 32 : index
    %get3A_648 = tpu.vector_load %arg18[%get3A_646, %get3A_647] {strides = array<i32>} : memref<16x64xf32, #tpu.memory_space<vmem>>, vector<16xf32>,
    %add3A_649 = arith.addf %get3A_645, %get3A_648 : vector<16xf32>
    %get3A_650 = arith.constant 0 : i32
    %get3A_651 = arith.index_cast %get3A_650 : i32 to index
    %get3A_652 = arith.constant 32 : index
    %get3A_653 = tpu.vector_load %arg19[%get3A_651, %get3A_652] {strides = array<i32>} : memref<32x64xf32, #tpu.memory_space<vmem>>, vector<16xf32>,
    %add3A_654 = arith.addf %get3A_653, %add3A_649 : vector<16xf32>
    %swap3A_655 = arith.constant 0 : i32
    %swap3A_656 = arith.index_cast %swap3A_655 : i32 to index
    %swap3A_657 = arith.constant 32 : index
    %swap3A_658 = tpu.vector_load %arg20[%swap3A_656, %swap3A_657] {strides = array<i32>} : memref<32x64xf32, #tpu.memory_space<vmem>>, vector<16xf32>,
    tpu.vector_store %arg20[%swap3A_656, %swap3A_657], %add3A_654 {strides = array<i32>} : memref<32x64xf32, #tpu.memory_space<vmem>>, vector<16xf32>,
    %get3A_659 = arith.constant 1 : i32
    %get3A_660 = arith.index_cast %get3A_659 : i32 to index
    %get3A_661 = arith.constant 32 : index
    %get3A_662 = tpu.vector_load %arg19[%get3A_660, %get3A_661] {strides = array<i32>} : memref<32x64xf32, #tpu.memory_space<vmem>>, vector<16xf32>,
    %add3A_663 = arith.addf %get3A_662, %add3A_649 : vector<16xf32>
    %swap3A_664 = arith.constant 1 : i32
    %swap3A_665 = arith.index_cast %swap3A_664 : i32 to index
    %swap3A_666 = arith.constant 32 : index
    %swap3A_667 = tpu.vector_load %arg20[%swap3A_665, %swap3A_666] {strides = array<i32>} : memref<32x64xf32, #tpu.memory_space<vmem>>, vector<16xf32>,
    tpu.vector_store %arg20[%swap3A_665, %swap3A_666], %add3A_663 {strides = array<i32>} : memref<32x64xf32, #tpu.memory_space<vmem>>, vector<16xf32>,
    %get3A_668 = arith.constant 2 : i32
    %get3A_669 = arith.index_cast %get3A_668 : i32 to index
    %get3A_670 = arith.constant 32 : index
    %get3A_671 = tpu.vector_load %arg19[%get3A_669, %get3A_670] {strides = array<i32>} : memref<32x64xf32, #tpu.memory_space<vmem>>, vector<16xf32>,
    %add3A_672 = arith.addf %get3A_671, %add3A_649 : vector<16xf32>
    %swap3A_673 = arith.constant 2 : i32
    %swap3A_674 = arith.index_cast %swap3A_673 : i32 to index
    %swap3A_675 = arith.constant 32 : index
    %swap3A_676 = tpu.vector_load %arg20[%swap3A_674, %swap3A_675] {strides = array<i32>} : memref<32x64xf32, #tpu.memory_space<vmem>>, vector<16xf32>,
    tpu.vector_store %arg20[%swap3A_674, %swap3A_675], %add3A_672 {strides = array<i32>} : memref<32x64xf32, #tpu.memory_space<vmem>>, vector<16xf32>,
    %get3A_677 = arith.constant 3 : i32
    %get3A_678 = arith.index_cast %get3A_677 : i32 to index
    %get3A_679 = arith.constant 32 : index
    %get3A_680 = tpu.vector_load %arg19[%get3A_678, %get3A_679] {strides = array<i32>} : memref<32x64xf32, #tpu.memory_space<vmem>>, vector<16xf32>,
    %add3A_681 = arith.addf %get3A_680, %add3A_649 : vector<16xf32>
    %swap3A_682 = arith.constant 3 : i32
    %swap3A_683 = arith.index_cast %swap3A_682 : i32 to index
    %swap3A_684 = arith.constant 32 : index
    %swap3A_685 = tpu.vector_load %arg20[%swap3A_683, %swap3A_684] {strides = array<i32>} : memref<32x64xf32, #tpu.memory_space<vmem>>, vector<16xf32>,
    tpu.vector_store %arg20[%swap3A_683, %swap3A_684], %add3A_681 {strides = array<i32>} : memref<32x64xf32, #tpu.memory_space<vmem>>, vector<16xf32>,
    %get3A_686 = arith.constant 4 : i32
    %get3A_687 = arith.index_cast %get3A_686 : i32 to index
    %get3A_688 = arith.constant 32 : index
    %get3A_689 = tpu.vector_load %arg19[%get3A_687, %get3A_688] {strides = array<i32>} : memref<32x64xf32, #tpu.memory_space<vmem>>, vector<16xf32>,
    %add3A_690 = arith.addf %get3A_689, %add3A_649 : vector<16xf32>
    %swap3A_691 = arith.constant 4 : i32
    %swap3A_692 = arith.index_cast %swap3A_691 : i32 to index
    %swap3A_693 = arith.constant 32 : index
    %swap3A_694 = tpu.vector_load %arg20[%swap3A_692, %swap3A_693] {strides = array<i32>} : memref<32x64xf32, #tpu.memory_space<vmem>>, vector<16xf32>,
    tpu.vector_store %arg20[%swap3A_692, %swap3A_693], %add3A_690 {strides = array<i32>} : memref<32x64xf32, #tpu.memory_space<vmem>>, vector<16xf32>,
    %get3A_695 = arith.constant 5 : i32
    %get3A_696 = arith.index_cast %get3A_695 : i32 to index
    %get3A_697 = arith.constant 32 : index
    %get3A_698 = tpu.vector_load %arg19[%get3A_696, %get3A_697] {strides = array<i32>} : memref<32x64xf32, #tpu.memory_space<vmem>>, vector<16xf32>,
    %add3A_699 = arith.addf %get3A_698, %add3A_649 : vector<16xf32>
    %swap3A_700 = arith.constant 5 : i32
    %swap3A_701 = arith.index_cast %swap3A_700 : i32 to index
    %swap3A_702 = arith.constant 32 : index
    %swap3A_703 = tpu.vector_load %arg20[%swap3A_701, %swap3A_702] {strides = array<i32>} : memref<32x64xf32, #tpu.memory_space<vmem>>, vector<16xf32>,
    tpu.vector_store %arg20[%swap3A_701, %swap3A_702], %add3A_699 {strides = array<i32>} : memref<32x64xf32, #tpu.memory_space<vmem>>, vector<16xf32>,
    %get3A_704 = arith.constant 6 : i32
    %get3A_705 = arith.index_cast %get3A_704 : i32 to index
    %get3A_706 = arith.constant 32 : index
    %get3A_707 = tpu.vector_load %arg19[%get3A_705, %get3A_706] {strides = array<i32>} : memref<32x64xf32, #tpu.memory_space<vmem>>, vector<16xf32>,
    %add3A_708 = arith.addf %get3A_707, %add3A_649 : vector<16xf32>
    %swap3A_709 = arith.constant 6 : i32
    %swap3A_710 = arith.index_cast %swap3A_709 : i32 to index
    %swap3A_711 = arith.constant 32 : index
    %swap3A_712 = tpu.vector_load %arg20[%swap3A_710, %swap3A_711] {strides = array<i32>} : memref<32x64xf32, #tpu.memory_space<vmem>>, vector<16xf32>,
    tpu.vector_store %arg20[%swap3A_710, %swap3A_711], %add3A_708 {strides = array<i32>} : memref<32x64xf32, #tpu.memory_space<vmem>>, vector<16xf32>,
    %get3A_713 = arith.constant 7 : i32
    %get3A_714 = arith.index_cast %get3A_713 : i32 to index
    %get3A_715 = arith.constant 32 : index
    %get3A_716 = tpu.vector_load %arg19[%get3A_714, %get3A_715] {strides = array<i32>} : memref<32x64xf32, #tpu.memory_space<vmem>>, vector<16xf32>,
    %add3A_717 = arith.addf %get3A_716, %add3A_649 : vector<16xf32>
    %swap3A_718 = arith.constant 7 : i32
    %swap3A_719 = arith.index_cast %swap3A_718 : i32 to index
    %swap3A_720 = arith.constant 32 : index
    %swap3A_721 = tpu.vector_load %arg20[%swap3A_719, %swap3A_720] {strides = array<i32>} : memref<32x64xf32, #tpu.memory_space<vmem>>, vector<16xf32>,
    tpu.vector_store %arg20[%swap3A_719, %swap3A_720], %add3A_717 {strides = array<i32>} : memref<32x64xf32, #tpu.memory_space<vmem>>, vector<16xf32>,
    %get3A_722 = arith.constant 8 : i32
    %get3A_723 = arith.index_cast %get3A_722 : i32 to index
    %get3A_724 = arith.constant 32 : index
    %get3A_725 = tpu.vector_load %arg19[%get3A_723, %get3A_724] {strides = array<i32>} : memref<32x64xf32, #tpu.memory_space<vmem>>, vector<16xf32>,
    %add3A_726 = arith.addf %get3A_725, %add3A_649 : vector<16xf32>
    %swap3A_727 = arith.constant 8 : i32
    %swap3A_728 = arith.index_cast %swap3A_727 : i32 to index
    %swap3A_729 = arith.constant 32 : index
    %swap3A_730 = tpu.vector_load %arg20[%swap3A_728, %swap3A_729] {strides = array<i32>} : memref<32x64xf32, #tpu.memory_space<vmem>>, vector<16xf32>,
    tpu.vector_store %arg20[%swap3A_728, %swap3A_729], %add3A_726 {strides = array<i32>} : memref<32x64xf32, #tpu.memory_space<vmem>>, vector<16xf32>,
    %get3A_731 = arith.constant 9 : i32
    %get3A_732 = arith.index_cast %get3A_731 : i32 to index
    %get3A_733 = arith.constant 32 : index
    %get3A_734 = tpu.vector_load %arg19[%get3A_732, %get3A_733] {strides = array<i32>} : memref<32x64xf32, #tpu.memory_space<vmem>>, vector<16xf32>,
    %add3A_735 = arith.addf %get3A_734, %add3A_649 : vector<16xf32>
    %swap3A_736 = arith.constant 9 : i32
    %swap3A_737 = arith.index_cast %swap3A_736 : i32 to index
    %swap3A_738 = arith.constant 32 : index
    %swap3A_739 = tpu.vector_load %arg20[%swap3A_737, %swap3A_738] {strides = array<i32>} : memref<32x64xf32, #tpu.memory_space<vmem>>, vector<16xf32>,
    tpu.vector_store %arg20[%swap3A_737, %swap3A_738], %add3A_735 {strides = array<i32>} : memref<32x64xf32, #tpu.memory_space<vmem>>, vector<16xf32>,
    %get3A_740 = arith.constant 10 : i32
    %get3A_741 = arith.index_cast %get3A_740 : i32 to index
    %get3A_742 = arith.constant 32 : index
    %get3A_743 = tpu.vector_load %arg19[%get3A_741, %get3A_742] {strides = array<i32>} : memref<32x64xf32, #tpu.memory_space<vmem>>, vector<16xf32>,
    %add3A_744 = arith.addf %get3A_743, %add3A_649 : vector<16xf32>
    %swap3A_745 = arith.constant 10 : i32
    %swap3A_746 = arith.index_cast %swap3A_745 : i32 to index
    %swap3A_747 = arith.constant 32 : index
    %swap3A_748 = tpu.vector_load %arg20[%swap3A_746, %swap3A_747] {strides = array<i32>} : memref<32x64xf32, #tpu.memory_space<vmem>>, vector<16xf32>,
    tpu.vector_store %arg20[%swap3A_746, %swap3A_747], %add3A_744 {strides = array<i32>} : memref<32x64xf32, #tpu.memory_space<vmem>>, vector<16xf32>,
    %get3A_749 = arith.constant 11 : i32
    %get3A_750 = arith.index_cast %get3A_749 : i32 to index
    %get3A_751 = arith.constant 32 : index
    %get3A_752 = tpu.vector_load %arg19[%get3A_750, %get3A_751] {strides = array<i32>} : memref<32x64xf32, #tpu.memory_space<vmem>>, vector<16xf32>,
    %add3A_753 = arith.addf %get3A_752, %add3A_649 : vector<16xf32>
    %swap3A_754 = arith.constant 11 : i32
    %swap3A_755 = arith.index_cast %swap3A_754 : i32 to index
    %swap3A_756 = arith.constant 32 : index
    %swap3A_757 = tpu.vector_load %arg20[%swap3A_755, %swap3A_756] {strides = array<i32>} : memref<32x64xf32, #tpu.memory_space<vmem>>, vector<16xf32>,
    tpu.vector_store %arg20[%swap3A_755, %swap3A_756], %add3A_753 {strides = array<i32>} : memref<32x64xf32, #tpu.memory_space<vmem>>, vector<16xf32>,
    %get3A_758 = arith.constant 12 : i32
    %get3A_759 = arith.index_cast %get3A_758 : i32 to index
    %get3A_760 = arith.constant 32 : index
    %get3A_761 = tpu.vector_load %arg19[%get3A_759, %get3A_760] {strides = array<i32>} : memref<32x64xf32, #tpu.memory_space<vmem>>, vector<16xf32>,
    %add3A_762 = arith.addf %get3A_761, %add3A_649 : vector<16xf32>
    %swap3A_763 = arith.constant 12 : i32
    %swap3A_764 = arith.index_cast %swap3A_763 : i32 to index
    %swap3A_765 = arith.constant 32 : index
    %swap3A_766 = tpu.vector_load %arg20[%swap3A_764, %swap3A_765] {strides = array<i32>} : memref<32x64xf32, #tpu.memory_space<vmem>>, vector<16xf32>,
    tpu.vector_store %arg20[%swap3A_764, %swap3A_765], %add3A_762 {strides = array<i32>} : memref<32x64xf32, #tpu.memory_space<vmem>>, vector<16xf32>,
    %get3A_767 = arith.constant 13 : i32
    %get3A_768 = arith.index_cast %get3A_767 : i32 to index
    %get3A_769 = arith.constant 32 : index
    %get3A_770 = tpu.vector_load %arg19[%get3A_768, %get3A_769] {strides = array<i32>} : memref<32x64xf32, #tpu.memory_space<vmem>>, vector<16xf32>,
    %add3A_771 = arith.addf %get3A_770, %add3A_649 : vector<16xf32>
    %swap3A_772 = arith.constant 13 : i32
    %swap3A_773 = arith.index_cast %swap3A_772 : i32 to index
    %swap3A_774 = arith.constant 32 : index
    %swap3A_775 = tpu.vector_load %arg20[%swap3A_773, %swap3A_774] {strides = array<i32>} : memref<32x64xf32, #tpu.memory_space<vmem>>, vector<16xf32>,
    tpu.vector_store %arg20[%swap3A_773, %swap3A_774], %add3A_771 {strides = array<i32>} : memref<32x64xf32, #tpu.memory_space<vmem>>, vector<16xf32>,
    %get3A_776 = arith.constant 14 : i32
    %get3A_777 = arith.index_cast %get3A_776 : i32 to index
    %get3A_778 = arith.constant 32 : index
    %get3A_779 = tpu.vector_load %arg19[%get3A_777, %get3A_778] {strides = array<i32>} : memref<32x64xf32, #tpu.memory_space<vmem>>, vector<16xf32>,
    %add3A_780 = arith.addf %get3A_779, %add3A_649 : vector<16xf32>
    %swap3A_781 = arith.constant 14 : i32
    %swap3A_782 = arith.index_cast %swap3A_781 : i32 to index
    %swap3A_783 = arith.constant 32 : index
    %swap3A_784 = tpu.vector_load %arg20[%swap3A_782, %swap3A_783] {strides = array<i32>} : memref<32x64xf32, #tpu.memory_space<vmem>>, vector<16xf32>,
    tpu.vector_store %arg20[%swap3A_782, %swap3A_783], %add3A_780 {strides = array<i32>} : memref<32x64xf32, #tpu.memory_space<vmem>>, vector<16xf32>,
    %get3A_785 = arith.constant 15 : i32
    %get3A_786 = arith.index_cast %get3A_785 : i32 to index
    %get3A_787 = arith.constant 32 : index
    %get3A_788 = tpu.vector_load %arg19[%get3A_786, %get3A_787] {strides = array<i32>} : memref<32x64xf32, #tpu.memory_space<vmem>>, vector<16xf32>,
    %add3A_789 = arith.addf %get3A_788, %add3A_649 : vector<16xf32>
    %swap3A_790 = arith.constant 15 : i32
    %swap3A_791 = arith.index_cast %swap3A_790 : i32 to index
    %swap3A_792 = arith.constant 32 : index
    %swap3A_793 = tpu.vector_load %arg20[%swap3A_791, %swap3A_792] {strides = array<i32>} : memref<32x64xf32, #tpu.memory_space<vmem>>, vector<16xf32>,
    tpu.vector_store %arg20[%swap3A_791, %swap3A_792], %add3A_789 {strides = array<i32>} : memref<32x64xf32, #tpu.memory_space<vmem>>, vector<16xf32>,
    %get3A_794 = arith.constant 16 : i32
    %get3A_795 = arith.index_cast %get3A_794 : i32 to index
    %get3A_796 = arith.constant 32 : index
    %get3A_797 = tpu.vector_load %arg19[%get3A_795, %get3A_796] {strides = array<i32>} : memref<32x64xf32, #tpu.memory_space<vmem>>, vector<16xf32>,
    %add3A_798 = arith.addf %get3A_797, %add3A_649 : vector<16xf32>
    %swap3A_799 = arith.constant 16 : i32
    %swap3A_800 = arith.index_cast %swap3A_799 : i32 to index
    %swap3A_801 = arith.constant 32 : index
    %swap3A_802 = tpu.vector_load %arg20[%swap3A_800, %swap3A_801] {strides = array<i32>} : memref<32x64xf32, #tpu.memory_space<vmem>>, vector<16xf32>,
    tpu.vector_store %arg20[%swap3A_800, %swap3A_801], %add3A_798 {strides = array<i32>} : memref<32x64xf32, #tpu.memory_space<vmem>>, vector<16xf32>,
    %get3A_803 = arith.constant 17 : i32
    %get3A_804 = arith.index_cast %get3A_803 : i32 to index
    %get3A_805 = arith.constant 32 : index
    %get3A_806 = tpu.vector_load %arg19[%get3A_804, %get3A_805] {strides = array<i32>} : memref<32x64xf32, #tpu.memory_space<vmem>>, vector<16xf32>,
    %add3A_807 = arith.addf %get3A_806, %add3A_649 : vector<16xf32>
    %swap3A_808 = arith.constant 17 : i32
    %swap3A_809 = arith.index_cast %swap3A_808 : i32 to index
    %swap3A_810 = arith.constant 32 : index
    %swap3A_811 = tpu.vector_load %arg20[%swap3A_809, %swap3A_810] {strides = array<i32>} : memref<32x64xf32, #tpu.memory_space<vmem>>, vector<16xf32>,
    tpu.vector_store %arg20[%swap3A_809, %swap3A_810], %add3A_807 {strides = array<i32>} : memref<32x64xf32, #tpu.memory_space<vmem>>, vector<16xf32>,
    %get3A_812 = arith.constant 18 : i32
    %get3A_813 = arith.index_cast %get3A_812 : i32 to index
    %get3A_814 = arith.constant 32 : index
    %get3A_815 = tpu.vector_load %arg19[%get3A_813, %get3A_814] {strides = array<i32>} : memref<32x64xf32, #tpu.memory_space<vmem>>, vector<16xf32>,
    %add3A_816 = arith.addf %get3A_815, %add3A_649 : vector<16xf32>
    %swap3A_817 = arith.constant 18 : i32
    %swap3A_818 = arith.index_cast %swap3A_817 : i32 to index
    %swap3A_819 = arith.constant 32 : index
    %swap3A_820 = tpu.vector_load %arg20[%swap3A_818, %swap3A_819] {strides = array<i32>} : memref<32x64xf32, #tpu.memory_space<vmem>>, vector<16xf32>,
    tpu.vector_store %arg20[%swap3A_818, %swap3A_819], %add3A_816 {strides = array<i32>} : memref<32x64xf32, #tpu.memory_space<vmem>>, vector<16xf32>,
    %get3A_821 = arith.constant 19 : i32
    %get3A_822 = arith.index_cast %get3A_821 : i32 to index
    %get3A_823 = arith.constant 32 : index
    %get3A_824 = tpu.vector_load %arg19[%get3A_822, %get3A_823] {strides = array<i32>} : memref<32x64xf32, #tpu.memory_space<vmem>>, vector<16xf32>,
    %add3A_825 = arith.addf %get3A_824, %add3A_649 : vector<16xf32>
    %swap3A_826 = arith.constant 19 : i32
    %swap3A_827 = arith.index_cast %swap3A_826 : i32 to index
    %swap3A_828 = arith.constant 32 : index
    %swap3A_829 = tpu.vector_load %arg20[%swap3A_827, %swap3A_828] {strides = array<i32>} : memref<32x64xf32, #tpu.memory_space<vmem>>, vector<16xf32>,
    tpu.vector_store %arg20[%swap3A_827, %swap3A_828], %add3A_825 {strides = array<i32>} : memref<32x64xf32, #tpu.memory_space<vmem>>, vector<16xf32>,
    %get3A_830 = arith.constant 20 : i32
    %get3A_831 = arith.index_cast %get3A_830 : i32 to index
    %get3A_832 = arith.constant 32 : index
    %get3A_833 = tpu.vector_load %arg19[%get3A_831, %get3A_832] {strides = array<i32>} : memref<32x64xf32, #tpu.memory_space<vmem>>, vector<16xf32>,
    %add3A_834 = arith.addf %get3A_833, %add3A_649 : vector<16xf32>
    %swap3A_835 = arith.constant 20 : i32
    %swap3A_836 = arith.index_cast %swap3A_835 : i32 to index
    %swap3A_837 = arith.constant 32 : index
    %swap3A_838 = tpu.vector_load %arg20[%swap3A_836, %swap3A_837] {strides = array<i32>} : memref<32x64xf32, #tpu.memory_space<vmem>>, vector<16xf32>,
    tpu.vector_store %arg20[%swap3A_836, %swap3A_837], %add3A_834 {strides = array<i32>} : memref<32x64xf32, #tpu.memory_space<vmem>>, vector<16xf32>,
    %get3A_839 = arith.constant 21 : i32
    %get3A_840 = arith.index_cast %get3A_839 : i32 to index
    %get3A_841 = arith.constant 32 : index
    %get3A_842 = tpu.vector_load %arg19[%get3A_840, %get3A_841] {strides = array<i32>} : memref<32x64xf32, #tpu.memory_space<vmem>>, vector<16xf32>,
    %add3A_843 = arith.addf %get3A_842, %add3A_649 : vector<16xf32>
    %swap3A_844 = arith.constant 21 : i32
    %swap3A_845 = arith.index_cast %swap3A_844 : i32 to index
    %swap3A_846 = arith.constant 32 : index
    %swap3A_847 = tpu.vector_load %arg20[%swap3A_845, %swap3A_846] {strides = array<i32>} : memref<32x64xf32, #tpu.memory_space<vmem>>, vector<16xf32>,
    tpu.vector_store %arg20[%swap3A_845, %swap3A_846], %add3A_843 {strides = array<i32>} : memref<32x64xf32, #tpu.memory_space<vmem>>, vector<16xf32>,
    %get3A_848 = arith.constant 22 : i32
    %get3A_849 = arith.index_cast %get3A_848 : i32 to index
    %get3A_850 = arith.constant 32 : index
    %get3A_851 = tpu.vector_load %arg19[%get3A_849, %get3A_850] {strides = array<i32>} : memref<32x64xf32, #tpu.memory_space<vmem>>, vector<16xf32>,
    %add3A_852 = arith.addf %get3A_851, %add3A_649 : vector<16xf32>
    %swap3A_853 = arith.constant 22 : i32
    %swap3A_854 = arith.index_cast %swap3A_853 : i32 to index
    %swap3A_855 = arith.constant 32 : index
    %swap3A_856 = tpu.vector_load %arg20[%swap3A_854, %swap3A_855] {strides = array<i32>} : memref<32x64xf32, #tpu.memory_space<vmem>>, vector<16xf32>,
    tpu.vector_store %arg20[%swap3A_854, %swap3A_855], %add3A_852 {strides = array<i32>} : memref<32x64xf32, #tpu.memory_space<vmem>>, vector<16xf32>,
    %get3A_857 = arith.constant 23 : i32
    %get3A_858 = arith.index_cast %get3A_857 : i32 to index
    %get3A_859 = arith.constant 32 : index
    %get3A_860 = tpu.vector_load %arg19[%get3A_858, %get3A_859] {strides = array<i32>} : memref<32x64xf32, #tpu.memory_space<vmem>>, vector<16xf32>,
    %add3A_861 = arith.addf %get3A_860, %add3A_649 : vector<16xf32>
    %swap3A_862 = arith.constant 23 : i32
    %swap3A_863 = arith.index_cast %swap3A_862 : i32 to index
    %swap3A_864 = arith.constant 32 : index
    %swap3A_865 = tpu.vector_load %arg20[%swap3A_863, %swap3A_864] {strides = array<i32>} : memref<32x64xf32, #tpu.memory_space<vmem>>, vector<16xf32>,
    tpu.vector_store %arg20[%swap3A_863, %swap3A_864], %add3A_861 {strides = array<i32>} : memref<32x64xf32, #tpu.memory_space<vmem>>, vector<16xf32>,
    %get3A_866 = arith.constant 24 : i32
    %get3A_867 = arith.index_cast %get3A_866 : i32 to index
    %get3A_868 = arith.constant 32 : index
    %get3A_869 = tpu.vector_load %arg19[%get3A_867, %get3A_868] {strides = array<i32>} : memref<32x64xf32, #tpu.memory_space<vmem>>, vector<16xf32>,
    %add3A_870 = arith.addf %get3A_869, %add3A_649 : vector<16xf32>
    %swap3A_871 = arith.constant 24 : i32
    %swap3A_872 = arith.index_cast %swap3A_871 : i32 to index
    %swap3A_873 = arith.constant 32 : index
    %swap3A_874 = tpu.vector_load %arg20[%swap3A_872, %swap3A_873] {strides = array<i32>} : memref<32x64xf32, #tpu.memory_space<vmem>>, vector<16xf32>,
    tpu.vector_store %arg20[%swap3A_872, %swap3A_873], %add3A_870 {strides = array<i32>} : memref<32x64xf32, #tpu.memory_space<vmem>>, vector<16xf32>,
    %get3A_875 = arith.constant 25 : i32
    %get3A_876 = arith.index_cast %get3A_875 : i32 to index
    %get3A_877 = arith.constant 32 : index
    %get3A_878 = tpu.vector_load %arg19[%get3A_876, %get3A_877] {strides = array<i32>} : memref<32x64xf32, #tpu.memory_space<vmem>>, vector<16xf32>,
    %add3A_879 = arith.addf %get3A_878, %add3A_649 : vector<16xf32>
    %swap3A_880 = arith.constant 25 : i32
    %swap3A_881 = arith.index_cast %swap3A_880 : i32 to index
    %swap3A_882 = arith.constant 32 : index
    %swap3A_883 = tpu.vector_load %arg20[%swap3A_881, %swap3A_882] {strides = array<i32>} : memref<32x64xf32, #tpu.memory_space<vmem>>, vector<16xf32>,
    tpu.vector_store %arg20[%swap3A_881, %swap3A_882], %add3A_879 {strides = array<i32>} : memref<32x64xf32, #tpu.memory_space<vmem>>, vector<16xf32>,
    %get3A_884 = arith.constant 26 : i32
    %get3A_885 = arith.index_cast %get3A_884 : i32 to index
    %get3A_886 = arith.constant 32 : index
    %get3A_887 = tpu.vector_load %arg19[%get3A_885, %get3A_886] {strides = array<i32>} : memref<32x64xf32, #tpu.memory_space<vmem>>, vector<16xf32>,
    %add3A_888 = arith.addf %get3A_887, %add3A_649 : vector<16xf32>
    %swap3A_889 = arith.constant 26 : i32
    %swap3A_890 = arith.index_cast %swap3A_889 : i32 to index
    %swap3A_891 = arith.constant 32 : index
    %swap3A_892 = tpu.vector_load %arg20[%swap3A_890, %swap3A_891] {strides = array<i32>} : memref<32x64xf32, #tpu.memory_space<vmem>>, vector<16xf32>,
    tpu.vector_store %arg20[%swap3A_890, %swap3A_891], %add3A_888 {strides = array<i32>} : memref<32x64xf32, #tpu.memory_space<vmem>>, vector<16xf32>,
    %get3A_893 = arith.constant 27 : i32
    %get3A_894 = arith.index_cast %get3A_893 : i32 to index
    %get3A_895 = arith.constant 32 : index
    %get3A_896 = tpu.vector_load %arg19[%get3A_894, %get3A_895] {strides = array<i32>} : memref<32x64xf32, #tpu.memory_space<vmem>>, vector<16xf32>,
    %add3A_897 = arith.addf %get3A_896, %add3A_649 : vector<16xf32>
    %swap3A_898 = arith.constant 27 : i32
    %swap3A_899 = arith.index_cast %swap3A_898 : i32 to index
    %swap3A_900 = arith.constant 32 : index
    %swap3A_901 = tpu.vector_load %arg20[%swap3A_899, %swap3A_900] {strides = array<i32>} : memref<32x64xf32, #tpu.memory_space<vmem>>, vector<16xf32>,
    tpu.vector_store %arg20[%swap3A_899, %swap3A_900], %add3A_897 {strides = array<i32>} : memref<32x64xf32, #tpu.memory_space<vmem>>, vector<16xf32>,
    %get3A_902 = arith.constant 28 : i32
    %get3A_903 = arith.index_cast %get3A_902 : i32 to index
    %get3A_904 = arith.constant 32 : index
    %get3A_905 = tpu.vector_load %arg19[%get3A_903, %get3A_904] {strides = array<i32>} : memref<32x64xf32, #tpu.memory_space<vmem>>, vector<16xf32>,
    %add3A_906 = arith.addf %get3A_905, %add3A_649 : vector<16xf32>
    %swap3A_907 = arith.constant 28 : i32
    %swap3A_908 = arith.index_cast %swap3A_907 : i32 to index
    %swap3A_909 = arith.constant 32 : index
    %swap3A_910 = tpu.vector_load %arg20[%swap3A_908, %swap3A_909] {strides = array<i32>} : memref<32x64xf32, #tpu.memory_space<vmem>>, vector<16xf32>,
    tpu.vector_store %arg20[%swap3A_908, %swap3A_909], %add3A_906 {strides = array<i32>} : memref<32x64xf32, #tpu.memory_space<vmem>>, vector<16xf32>,
    %get3A_911 = arith.constant 29 : i32
    %get3A_912 = arith.index_cast %get3A_911 : i32 to index
    %get3A_913 = arith.constant 32 : index
    %get3A_914 = tpu.vector_load %arg19[%get3A_912, %get3A_913] {strides = array<i32>} : memref<32x64xf32, #tpu.memory_space<vmem>>, vector<16xf32>,
    %add3A_915 = arith.addf %get3A_914, %add3A_649 : vector<16xf32>
    %swap3A_916 = arith.constant 29 : i32
    %swap3A_917 = arith.index_cast %swap3A_916 : i32 to index
    %swap3A_918 = arith.constant 32 : index
    %swap3A_919 = tpu.vector_load %arg20[%swap3A_917, %swap3A_918] {strides = array<i32>} : memref<32x64xf32, #tpu.memory_space<vmem>>, vector<16xf32>,
    tpu.vector_store %arg20[%swap3A_917, %swap3A_918], %add3A_915 {strides = array<i32>} : memref<32x64xf32, #tpu.memory_space<vmem>>, vector<16xf32>,
    %get3A_920 = arith.constant 30 : i32
    %get3A_921 = arith.index_cast %get3A_920 : i32 to index
    %get3A_922 = arith.constant 32 : index
    %get3A_923 = tpu.vector_load %arg19[%get3A_921, %get3A_922] {strides = array<i32>} : memref<32x64xf32, #tpu.memory_space<vmem>>, vector<16xf32>,
    %add3A_924 = arith.addf %get3A_923, %add3A_649 : vector<16xf32>
    %swap3A_925 = arith.constant 30 : i32
    %swap3A_926 = arith.index_cast %swap3A_925 : i32 to index
    %swap3A_927 = arith.constant 32 : index
    %swap3A_928 = tpu.vector_load %arg20[%swap3A_926, %swap3A_927] {strides = array<i32>} : memref<32x64xf32, #tpu.memory_space<vmem>>, vector<16xf32>,
    tpu.vector_store %arg20[%swap3A_926, %swap3A_927], %add3A_924 {strides = array<i32>} : memref<32x64xf32, #tpu.memory_space<vmem>>, vector<16xf32>,
    %get3A_929 = arith.constant 31 : i32
    %get3A_930 = arith.index_cast %get3A_929 : i32 to index
    %get3A_931 = arith.constant 32 : index
    %get3A_932 = tpu.vector_load %arg19[%get3A_930, %get3A_931] {strides = array<i32>} : memref<32x64xf32, #tpu.memory_space<vmem>>, vector<16xf32>,
    %add3A_933 = arith.addf %get3A_932, %add3A_649 : vector<16xf32>
    %swap3A_934 = arith.constant 31 : i32
    %swap3A_935 = arith.index_cast %swap3A_934 : i32 to index
    %swap3A_936 = arith.constant 32 : index
    %swap3A_937 = tpu.vector_load %arg20[%swap3A_935, %swap3A_936] {strides = array<i32>} : memref<32x64xf32, #tpu.memory_space<vmem>>, vector<16xf32>,
    tpu.vector_store %arg20[%swap3A_935, %swap3A_936], %add3A_933 {strides = array<i32>} : memref<32x64xf32, #tpu.memory_space<vmem>>, vector<16xf32>,
    %get3A_938 = arith.index_cast %select_n3A : i32 to index
    %get3A_939 = arith.constant 48 : index
    %get3A_940 = tpu.vector_load %arg17[%get3A_938, %get3A_939] {strides = array<i32>} : memref<16x64xf32, #tpu.memory_space<vmem>>, vector<16xf32>,
    %get3A_941 = arith.index_cast %select_n3A : i32 to index
    %get3A_942 = arith.constant 48 : index
    %get3A_943 = tpu.vector_load %arg18[%get3A_941, %get3A_942] {strides = array<i32>} : memref<16x64xf32, #tpu.memory_space<vmem>>, vector<16xf32>,
    %add3A_944 = arith.addf %get3A_940, %get3A_943 : vector<16xf32>
    %get3A_945 = arith.constant 0 : i32
    %get3A_946 = arith.index_cast %get3A_945 : i32 to index
    %get3A_947 = arith.constant 48 : index
    %get3A_948 = tpu.vector_load %arg19[%get3A_946, %get3A_947] {strides = array<i32>} : memref<32x64xf32, #tpu.memory_space<vmem>>, vector<16xf32>,
    %add3A_949 = arith.addf %get3A_948, %add3A_944 : vector<16xf32>
    %swap3A_950 = arith.constant 0 : i32
    %swap3A_951 = arith.index_cast %swap3A_950 : i32 to index
    %swap3A_952 = arith.constant 48 : index
    %swap3A_953 = tpu.vector_load %arg20[%swap3A_951, %swap3A_952] {strides = array<i32>} : memref<32x64xf32, #tpu.memory_space<vmem>>, vector<16xf32>,
    tpu.vector_store %arg20[%swap3A_951, %swap3A_952], %add3A_949 {strides = array<i32>} : memref<32x64xf32, #tpu.memory_space<vmem>>, vector<16xf32>,
    %get3A_954 = arith.constant 1 : i32
    %get3A_955 = arith.index_cast %get3A_954 : i32 to index
    %get3A_956 = arith.constant 48 : index
    %get3A_957 = tpu.vector_load %arg19[%get3A_955, %get3A_956] {strides = array<i32>} : memref<32x64xf32, #tpu.memory_space<vmem>>, vector<16xf32>,
    %add3A_958 = arith.addf %get3A_957, %add3A_944 : vector<16xf32>
    %swap3A_959 = arith.constant 1 : i32
    %swap3A_960 = arith.index_cast %swap3A_959 : i32 to index
    %swap3A_961 = arith.constant 48 : index
    %swap3A_962 = tpu.vector_load %arg20[%swap3A_960, %swap3A_961] {strides = array<i32>} : memref<32x64xf32, #tpu.memory_space<vmem>>, vector<16xf32>,
    tpu.vector_store %arg20[%swap3A_960, %swap3A_961], %add3A_958 {strides = array<i32>} : memref<32x64xf32, #tpu.memory_space<vmem>>, vector<16xf32>,
    %get3A_963 = arith.constant 2 : i32
    %get3A_964 = arith.index_cast %get3A_963 : i32 to index
    %get3A_965 = arith.constant 48 : index
    %get3A_966 = tpu.vector_load %arg19[%get3A_964, %get3A_965] {strides = array<i32>} : memref<32x64xf32, #tpu.memory_space<vmem>>, vector<16xf32>,
    %add3A_967 = arith.addf %get3A_966, %add3A_944 : vector<16xf32>
    %swap3A_968 = arith.constant 2 : i32
    %swap3A_969 = arith.index_cast %swap3A_968 : i32 to index
    %swap3A_970 = arith.constant 48 : index
    %swap3A_971 = tpu.vector_load %arg20[%swap3A_969, %swap3A_970] {strides = array<i32>} : memref<32x64xf32, #tpu.memory_space<vmem>>, vector<16xf32>,
    tpu.vector_store %arg20[%swap3A_969, %swap3A_970], %add3A_967 {strides = array<i32>} : memref<32x64xf32, #tpu.memory_space<vmem>>, vector<16xf32>,
    %get3A_972 = arith.constant 3 : i32
    %get3A_973 = arith.index_cast %get3A_972 : i32 to index
    %get3A_974 = arith.constant 48 : index
    %get3A_975 = tpu.vector_load %arg19[%get3A_973, %get3A_974] {strides = array<i32>} : memref<32x64xf32, #tpu.memory_space<vmem>>, vector<16xf32>,
    %add3A_976 = arith.addf %get3A_975, %add3A_944 : vector<16xf32>
    %swap3A_977 = arith.constant 3 : i32
    %swap3A_978 = arith.index_cast %swap3A_977 : i32 to index
    %swap3A_979 = arith.constant 48 : index
    %swap3A_980 = tpu.vector_load %arg20[%swap3A_978, %swap3A_979] {strides = array<i32>} : memref<32x64xf32, #tpu.memory_space<vmem>>, vector<16xf32>,
    tpu.vector_store %arg20[%swap3A_978, %swap3A_979], %add3A_976 {strides = array<i32>} : memref<32x64xf32, #tpu.memory_space<vmem>>, vector<16xf32>,
    %get3A_981 = arith.constant 4 : i32
    %get3A_982 = arith.index_cast %get3A_981 : i32 to index
    %get3A_983 = arith.constant 48 : index
    %get3A_984 = tpu.vector_load %arg19[%get3A_982, %get3A_983] {strides = array<i32>} : memref<32x64xf32, #tpu.memory_space<vmem>>, vector<16xf32>,
    %add3A_985 = arith.addf %get3A_984, %add3A_944 : vector<16xf32>
    %swap3A_986 = arith.constant 4 : i32
    %swap3A_987 = arith.index_cast %swap3A_986 : i32 to index
    %swap3A_988 = arith.constant 48 : index
    %swap3A_989 = tpu.vector_load %arg20[%swap3A_987, %swap3A_988] {strides = array<i32>} : memref<32x64xf32, #tpu.memory_space<vmem>>, vector<16xf32>,
    tpu.vector_store %arg20[%swap3A_987, %swap3A_988], %add3A_985 {strides = array<i32>} : memref<32x64xf32, #tpu.memory_space<vmem>>, vector<16xf32>,
    %get3A_990 = arith.constant 5 : i32
    %get3A_991 = arith.index_cast %get3A_990 : i32 to index
    %get3A_992 = arith.constant 48 : index
    %get3A_993 = tpu.vector_load %arg19[%get3A_991, %get3A_992] {strides = array<i32>} : memref<32x64xf32, #tpu.memory_space<vmem>>, vector<16xf32>,
    %add3A_994 = arith.addf %get3A_993, %add3A_944 : vector<16xf32>
    %swap3A_995 = arith.constant 5 : i32
    %swap3A_996 = arith.index_cast %swap3A_995 : i32 to index
    %swap3A_997 = arith.constant 48 : index
    %swap3A_998 = tpu.vector_load %arg20[%swap3A_996, %swap3A_997] {strides = array<i32>} : memref<32x64xf32, #tpu.memory_space<vmem>>, vector<16xf32>,
    tpu.vector_store %arg20[%swap3A_996, %swap3A_997], %add3A_994 {strides = array<i32>} : memref<32x64xf32, #tpu.memory_space<vmem>>, vector<16xf32>,
    %get3A_999 = arith.constant 6 : i32
    %get3A_1000 = arith.index_cast %get3A_999 : i32 to index
    %get3A_1001 = arith.constant 48 : index
    %get3A_1002 = tpu.vector_load %arg19[%get3A_1000, %get3A_1001] {strides = array<i32>} : memref<32x64xf32, #tpu.memory_space<vmem>>, vector<16xf32>,
    %add3A_1003 = arith.addf %get3A_1002, %add3A_944 : vector<16xf32>
    %swap3A_1004 = arith.constant 6 : i32
    %swap3A_1005 = arith.index_cast %swap3A_1004 : i32 to index
    %swap3A_1006 = arith.constant 48 : index
    %swap3A_1007 = tpu.vector_load %arg20[%swap3A_1005, %swap3A_1006] {strides = array<i32>} : memref<32x64xf32, #tpu.memory_space<vmem>>, vector<16xf32>,
    tpu.vector_store %arg20[%swap3A_1005, %swap3A_1006], %add3A_1003 {strides = array<i32>} : memref<32x64xf32, #tpu.memory_space<vmem>>, vector<16xf32>,
    %get3A_1008 = arith.constant 7 : i32
    %get3A_1009 = arith.index_cast %get3A_1008 : i32 to index
    %get3A_1010 = arith.constant 48 : index
    %get3A_1011 = tpu.vector_load %arg19[%get3A_1009, %get3A_1010] {strides = array<i32>} : memref<32x64xf32, #tpu.memory_space<vmem>>, vector<16xf32>,
    %add3A_1012 = arith.addf %get3A_1011, %add3A_944 : vector<16xf32>
    %swap3A_1013 = arith.constant 7 : i32
    %swap3A_1014 = arith.index_cast %swap3A_1013 : i32 to index
    %swap3A_1015 = arith.constant 48 : index
    %swap3A_1016 = tpu.vector_load %arg20[%swap3A_1014, %swap3A_1015] {strides = array<i32>} : memref<32x64xf32, #tpu.memory_space<vmem>>, vector<16xf32>,
    tpu.vector_store %arg20[%swap3A_1014, %swap3A_1015], %add3A_1012 {strides = array<i32>} : memref<32x64xf32, #tpu.memory_space<vmem>>, vector<16xf32>,
    %get3A_1017 = arith.constant 8 : i32
    %get3A_1018 = arith.index_cast %get3A_1017 : i32 to index
    %get3A_1019 = arith.constant 48 : index
    %get3A_1020 = tpu.vector_load %arg19[%get3A_1018, %get3A_1019] {strides = array<i32>} : memref<32x64xf32, #tpu.memory_space<vmem>>, vector<16xf32>,
    %add3A_1021 = arith.addf %get3A_1020, %add3A_944 : vector<16xf32>
    %swap3A_1022 = arith.constant 8 : i32
    %swap3A_1023 = arith.index_cast %swap3A_1022 : i32 to index
    %swap3A_1024 = arith.constant 48 : index
    %swap3A_1025 = tpu.vector_load %arg20[%swap3A_1023, %swap3A_1024] {strides = array<i32>} : memref<32x64xf32, #tpu.memory_space<vmem>>, vector<16xf32>,
    tpu.vector_store %arg20[%swap3A_1023, %swap3A_1024], %add3A_1021 {strides = array<i32>} : memref<32x64xf32, #tpu.memory_space<vmem>>, vector<16xf32>,
    %get3A_1026 = arith.constant 9 : i32
    %get3A_1027 = arith.index_cast %get3A_1026 : i32 to index
    %get3A_1028 = arith.constant 48 : index
    %get3A_1029 = tpu.vector_load %arg19[%get3A_1027, %get3A_1028] {strides = array<i32>} : memref<32x64xf32, #tpu.memory_space<vmem>>, vector<16xf32>,
    %add3A_1030 = arith.addf %get3A_1029, %add3A_944 : vector<16xf32>
    %swap3A_1031 = arith.constant 9 : i32
    %swap3A_1032 = arith.index_cast %swap3A_1031 : i32 to index
    %swap3A_1033 = arith.constant 48 : index
    %swap3A_1034 = tpu.vector_load %arg20[%swap3A_1032, %swap3A_1033] {strides = array<i32>} : memref<32x64xf32, #tpu.memory_space<vmem>>, vector<16xf32>,
    tpu.vector_store %arg20[%swap3A_1032, %swap3A_1033], %add3A_1030 {strides = array<i32>} : memref<32x64xf32, #tpu.memory_space<vmem>>, vector<16xf32>,
    %get3A_1035 = arith.constant 10 : i32
    %get3A_1036 = arith.index_cast %get3A_1035 : i32 to index
    %get3A_1037 = arith.constant 48 : index
    %get3A_1038 = tpu.vector_load %arg19[%get3A_1036, %get3A_1037] {strides = array<i32>} : memref<32x64xf32, #tpu.memory_space<vmem>>, vector<16xf32>,
    %add3A_1039 = arith.addf %get3A_1038, %add3A_944 : vector<16xf32>
    %swap3A_1040 = arith.constant 10 : i32
    %swap3A_1041 = arith.index_cast %swap3A_1040 : i32 to index
    %swap3A_1042 = arith.constant 48 : index
    %swap3A_1043 = tpu.vector_load %arg20[%swap3A_1041, %swap3A_1042] {strides = array<i32>} : memref<32x64xf32, #tpu.memory_space<vmem>>, vector<16xf32>,
    tpu.vector_store %arg20[%swap3A_1041, %swap3A_1042], %add3A_1039 {strides = array<i32>} : memref<32x64xf32, #tpu.memory_space<vmem>>, vector<16xf32>,
    %get3A_1044 = arith.constant 11 : i32
    %get3A_1045 = arith.index_cast %get3A_1044 : i32 to index
    %get3A_1046 = arith.constant 48 : index
    %get3A_1047 = tpu.vector_load %arg19[%get3A_1045, %get3A_1046] {strides = array<i32>} : memref<32x64xf32, #tpu.memory_space<vmem>>, vector<16xf32>,
    %add3A_1048 = arith.addf %get3A_1047, %add3A_944 : vector<16xf32>
    %swap3A_1049 = arith.constant 11 : i32
    %swap3A_1050 = arith.index_cast %swap3A_1049 : i32 to index
    %swap3A_1051 = arith.constant 48 : index
    %swap3A_1052 = tpu.vector_load %arg20[%swap3A_1050, %swap3A_1051] {strides = array<i32>} : memref<32x64xf32, #tpu.memory_space<vmem>>, vector<16xf32>,
    tpu.vector_store %arg20[%swap3A_1050, %swap3A_1051], %add3A_1048 {strides = array<i32>} : memref<32x64xf32, #tpu.memory_space<vmem>>, vector<16xf32>,
    %get3A_1053 = arith.constant 12 : i32
    %get3A_1054 = arith.index_cast %get3A_1053 : i32 to index
    %get3A_1055 = arith.constant 48 : index
    %get3A_1056 = tpu.vector_load %arg19[%get3A_1054, %get3A_1055] {strides = array<i32>} : memref<32x64xf32, #tpu.memory_space<vmem>>, vector<16xf32>,
    %add3A_1057 = arith.addf %get3A_1056, %add3A_944 : vector<16xf32>
    %swap3A_1058 = arith.constant 12 : i32
    %swap3A_1059 = arith.index_cast %swap3A_1058 : i32 to index
    %swap3A_1060 = arith.constant 48 : index
    %swap3A_1061 = tpu.vector_load %arg20[%swap3A_1059, %swap3A_1060] {strides = array<i32>} : memref<32x64xf32, #tpu.memory_space<vmem>>, vector<16xf32>,
    tpu.vector_store %arg20[%swap3A_1059, %swap3A_1060], %add3A_1057 {strides = array<i32>} : memref<32x64xf32, #tpu.memory_space<vmem>>, vector<16xf32>,
    %get3A_1062 = arith.constant 13 : i32
    %get3A_1063 = arith.index_cast %get3A_1062 : i32 to index
    %get3A_1064 = arith.constant 48 : index
    %get3A_1065 = tpu.vector_load %arg19[%get3A_1063, %get3A_1064] {strides = array<i32>} : memref<32x64xf32, #tpu.memory_space<vmem>>, vector<16xf32>,
    %add3A_1066 = arith.addf %get3A_1065, %add3A_944 : vector<16xf32>
    %swap3A_1067 = arith.constant 13 : i32
    %swap3A_1068 = arith.index_cast %swap3A_1067 : i32 to index
    %swap3A_1069 = arith.constant 48 : index
    %swap3A_1070 = tpu.vector_load %arg20[%swap3A_1068, %swap3A_1069] {strides = array<i32>} : memref<32x64xf32, #tpu.memory_space<vmem>>, vector<16xf32>,
    tpu.vector_store %arg20[%swap3A_1068, %swap3A_1069], %add3A_1066 {strides = array<i32>} : memref<32x64xf32, #tpu.memory_space<vmem>>, vector<16xf32>,
    %get3A_1071 = arith.constant 14 : i32
    %get3A_1072 = arith.index_cast %get3A_1071 : i32 to index
    %get3A_1073 = arith.constant 48 : index
    %get3A_1074 = tpu.vector_load %arg19[%get3A_1072, %get3A_1073] {strides = array<i32>} : memref<32x64xf32, #tpu.memory_space<vmem>>, vector<16xf32>,
    %add3A_1075 = arith.addf %get3A_1074, %add3A_944 : vector<16xf32>
    %swap3A_1076 = arith.constant 14 : i32
    %swap3A_1077 = arith.index_cast %swap3A_1076 : i32 to index
    %swap3A_1078 = arith.constant 48 : index
    %swap3A_1079 = tpu.vector_load %arg20[%swap3A_1077, %swap3A_1078] {strides = array<i32>} : memref<32x64xf32, #tpu.memory_space<vmem>>, vector<16xf32>,
    tpu.vector_store %arg20[%swap3A_1077, %swap3A_1078], %add3A_1075 {strides = array<i32>} : memref<32x64xf32, #tpu.memory_space<vmem>>, vector<16xf32>,
    %get3A_1080 = arith.constant 15 : i32
    %get3A_1081 = arith.index_cast %get3A_1080 : i32 to index
    %get3A_1082 = arith.constant 48 : index
    %get3A_1083 = tpu.vector_load %arg19[%get3A_1081, %get3A_1082] {strides = array<i32>} : memref<32x64xf32, #tpu.memory_space<vmem>>, vector<16xf32>,
    %add3A_1084 = arith.addf %get3A_1083, %add3A_944 : vector<16xf32>
    %swap3A_1085 = arith.constant 15 : i32
    %swap3A_1086 = arith.index_cast %swap3A_1085 : i32 to index
    %swap3A_1087 = arith.constant 48 : index
    %swap3A_1088 = tpu.vector_load %arg20[%swap3A_1086, %swap3A_1087] {strides = array<i32>} : memref<32x64xf32, #tpu.memory_space<vmem>>, vector<16xf32>,
    tpu.vector_store %arg20[%swap3A_1086, %swap3A_1087], %add3A_1084 {strides = array<i32>} : memref<32x64xf32, #tpu.memory_space<vmem>>, vector<16xf32>,
    %get3A_1089 = arith.constant 16 : i32
    %get3A_1090 = arith.index_cast %get3A_1089 : i32 to index
    %get3A_1091 = arith.constant 48 : index
    %get3A_1092 = tpu.vector_load %arg19[%get3A_1090, %get3A_1091] {strides = array<i32>} : memref<32x64xf32, #tpu.memory_space<vmem>>, vector<16xf32>,
    %add3A_1093 = arith.addf %get3A_1092, %add3A_944 : vector<16xf32>
    %swap3A_1094 = arith.constant 16 : i32
    %swap3A_1095 = arith.index_cast %swap3A_1094 : i32 to index
    %swap3A_1096 = arith.constant 48 : index
    %swap3A_1097 = tpu.vector_load %arg20[%swap3A_1095, %swap3A_1096] {strides = array<i32>} : memref<32x64xf32, #tpu.memory_space<vmem>>, vector<16xf32>,
    tpu.vector_store %arg20[%swap3A_1095, %swap3A_1096], %add3A_1093 {strides = array<i32>} : memref<32x64xf32, #tpu.memory_space<vmem>>, vector<16xf32>,
    %get3A_1098 = arith.constant 17 : i32
    %get3A_1099 = arith.index_cast %get3A_1098 : i32 to index
    %get3A_1100 = arith.constant 48 : index
    %get3A_1101 = tpu.vector_load %arg19[%get3A_1099, %get3A_1100] {strides = array<i32>} : memref<32x64xf32, #tpu.memory_space<vmem>>, vector<16xf32>,
    %add3A_1102 = arith.addf %get3A_1101, %add3A_944 : vector<16xf32>
    %swap3A_1103 = arith.constant 17 : i32
    %swap3A_1104 = arith.index_cast %swap3A_1103 : i32 to index
    %swap3A_1105 = arith.constant 48 : index
    %swap3A_1106 = tpu.vector_load %arg20[%swap3A_1104, %swap3A_1105] {strides = array<i32>} : memref<32x64xf32, #tpu.memory_space<vmem>>, vector<16xf32>,
    tpu.vector_store %arg20[%swap3A_1104, %swap3A_1105], %add3A_1102 {strides = array<i32>} : memref<32x64xf32, #tpu.memory_space<vmem>>, vector<16xf32>,
    %get3A_1107 = arith.constant 18 : i32
    %get3A_1108 = arith.index_cast %get3A_1107 : i32 to index
    %get3A_1109 = arith.constant 48 : index
    %get3A_1110 = tpu.vector_load %arg19[%get3A_1108, %get3A_1109] {strides = array<i32>} : memref<32x64xf32, #tpu.memory_space<vmem>>, vector<16xf32>,
    %add3A_1111 = arith.addf %get3A_1110, %add3A_944 : vector<16xf32>
    %swap3A_1112 = arith.constant 18 : i32
    %swap3A_1113 = arith.index_cast %swap3A_1112 : i32 to index
    %swap3A_1114 = arith.constant 48 : index
    %swap3A_1115 = tpu.vector_load %arg20[%swap3A_1113, %swap3A_1114] {strides = array<i32>} : memref<32x64xf32, #tpu.memory_space<vmem>>, vector<16xf32>,
    tpu.vector_store %arg20[%swap3A_1113, %swap3A_1114], %add3A_1111 {strides = array<i32>} : memref<32x64xf32, #tpu.memory_space<vmem>>, vector<16xf32>,
    %get3A_1116 = arith.constant 19 : i32
    %get3A_1117 = arith.index_cast %get3A_1116 : i32 to index
    %get3A_1118 = arith.constant 48 : index
    %get3A_1119 = tpu.vector_load %arg19[%get3A_1117, %get3A_1118] {strides = array<i32>} : memref<32x64xf32, #tpu.memory_space<vmem>>, vector<16xf32>,
    %add3A_1120 = arith.addf %get3A_1119, %add3A_944 : vector<16xf32>
    %swap3A_1121 = arith.constant 19 : i32
    %swap3A_1122 = arith.index_cast %swap3A_1121 : i32 to index
    %swap3A_1123 = arith.constant 48 : index
    %swap3A_1124 = tpu.vector_load %arg20[%swap3A_1122, %swap3A_1123] {strides = array<i32>} : memref<32x64xf32, #tpu.memory_space<vmem>>, vector<16xf32>,
    tpu.vector_store %arg20[%swap3A_1122, %swap3A_1123], %add3A_1120 {strides = array<i32>} : memref<32x64xf32, #tpu.memory_space<vmem>>, vector<16xf32>,
    %get3A_1125 = arith.constant 20 : i32
    %get3A_1126 = arith.index_cast %get3A_1125 : i32 to index
    %get3A_1127 = arith.constant 48 : index
    %get3A_1128 = tpu.vector_load %arg19[%get3A_1126, %get3A_1127] {strides = array<i32>} : memref<32x64xf32, #tpu.memory_space<vmem>>, vector<16xf32>,
    %add3A_1129 = arith.addf %get3A_1128, %add3A_944 : vector<16xf32>
    %swap3A_1130 = arith.constant 20 : i32
    %swap3A_1131 = arith.index_cast %swap3A_1130 : i32 to index
    %swap3A_1132 = arith.constant 48 : index
    %swap3A_1133 = tpu.vector_load %arg20[%swap3A_1131, %swap3A_1132] {strides = array<i32>} : memref<32x64xf32, #tpu.memory_space<vmem>>, vector<16xf32>,
    tpu.vector_store %arg20[%swap3A_1131, %swap3A_1132], %add3A_1129 {strides = array<i32>} : memref<32x64xf32, #tpu.memory_space<vmem>>, vector<16xf32>,
    %get3A_1134 = arith.constant 21 : i32
    %get3A_1135 = arith.index_cast %get3A_1134 : i32 to index
    %get3A_1136 = arith.constant 48 : index
    %get3A_1137 = tpu.vector_load %arg19[%get3A_1135, %get3A_1136] {strides = array<i32>} : memref<32x64xf32, #tpu.memory_space<vmem>>, vector<16xf32>,
    %add3A_1138 = arith.addf %get3A_1137, %add3A_944 : vector<16xf32>
    %swap3A_1139 = arith.constant 21 : i32
    %swap3A_1140 = arith.index_cast %swap3A_1139 : i32 to index
    %swap3A_1141 = arith.constant 48 : index
    %swap3A_1142 = tpu.vector_load %arg20[%swap3A_1140, %swap3A_1141] {strides = array<i32>} : memref<32x64xf32, #tpu.memory_space<vmem>>, vector<16xf32>,
    tpu.vector_store %arg20[%swap3A_1140, %swap3A_1141], %add3A_1138 {strides = array<i32>} : memref<32x64xf32, #tpu.memory_space<vmem>>, vector<16xf32>,
    %get3A_1143 = arith.constant 22 : i32
    %get3A_1144 = arith.index_cast %get3A_1143 : i32 to index
    %get3A_1145 = arith.constant 48 : index
    %get3A_1146 = tpu.vector_load %arg19[%get3A_1144, %get3A_1145] {strides = array<i32>} : memref<32x64xf32, #tpu.memory_space<vmem>>, vector<16xf32>,
    %add3A_1147 = arith.addf %get3A_1146, %add3A_944 : vector<16xf32>
    %swap3A_1148 = arith.constant 22 : i32
    %swap3A_1149 = arith.index_cast %swap3A_1148 : i32 to index
    %swap3A_1150 = arith.constant 48 : index
    %swap3A_1151 = tpu.vector_load %arg20[%swap3A_1149, %swap3A_1150] {strides = array<i32>} : memref<32x64xf32, #tpu.memory_space<vmem>>, vector<16xf32>,
    tpu.vector_store %arg20[%swap3A_1149, %swap3A_1150], %add3A_1147 {strides = array<i32>} : memref<32x64xf32, #tpu.memory_space<vmem>>, vector<16xf32>,
    %get3A_1152 = arith.constant 23 : i32
    %get3A_1153 = arith.index_cast %get3A_1152 : i32 to index
    %get3A_1154 = arith.constant 48 : index
    %get3A_1155 = tpu.vector_load %arg19[%get3A_1153, %get3A_1154] {strides = array<i32>} : memref<32x64xf32, #tpu.memory_space<vmem>>, vector<16xf32>,
    %add3A_1156 = arith.addf %get3A_1155, %add3A_944 : vector<16xf32>
    %swap3A_1157 = arith.constant 23 : i32
    %swap3A_1158 = arith.index_cast %swap3A_1157 : i32 to index
    %swap3A_1159 = arith.constant 48 : index
    %swap3A_1160 = tpu.vector_load %arg20[%swap3A_1158, %swap3A_1159] {strides = array<i32>} : memref<32x64xf32, #tpu.memory_space<vmem>>, vector<16xf32>,
    tpu.vector_store %arg20[%swap3A_1158, %swap3A_1159], %add3A_1156 {strides = array<i32>} : memref<32x64xf32, #tpu.memory_space<vmem>>, vector<16xf32>,
    %get3A_1161 = arith.constant 24 : i32
    %get3A_1162 = arith.index_cast %get3A_1161 : i32 to index
    %get3A_1163 = arith.constant 48 : index
    %get3A_1164 = tpu.vector_load %arg19[%get3A_1162, %get3A_1163] {strides = array<i32>} : memref<32x64xf32, #tpu.memory_space<vmem>>, vector<16xf32>,
    %add3A_1165 = arith.addf %get3A_1164, %add3A_944 : vector<16xf32>
    %swap3A_1166 = arith.constant 24 : i32
    %swap3A_1167 = arith.index_cast %swap3A_1166 : i32 to index
    %swap3A_1168 = arith.constant 48 : index
    %swap3A_1169 = tpu.vector_load %arg20[%swap3A_1167, %swap3A_1168] {strides = array<i32>} : memref<32x64xf32, #tpu.memory_space<vmem>>, vector<16xf32>,
    tpu.vector_store %arg20[%swap3A_1167, %swap3A_1168], %add3A_1165 {strides = array<i32>} : memref<32x64xf32, #tpu.memory_space<vmem>>, vector<16xf32>,
    %get3A_1170 = arith.constant 25 : i32
    %get3A_1171 = arith.index_cast %get3A_1170 : i32 to index
    %get3A_1172 = arith.constant 48 : index
    %get3A_1173 = tpu.vector_load %arg19[%get3A_1171, %get3A_1172] {strides = array<i32>} : memref<32x64xf32, #tpu.memory_space<vmem>>, vector<16xf32>,
    %add3A_1174 = arith.addf %get3A_1173, %add3A_944 : vector<16xf32>
    %swap3A_1175 = arith.constant 25 : i32
    %swap3A_1176 = arith.index_cast %swap3A_1175 : i32 to index
    %swap3A_1177 = arith.constant 48 : index
    %swap3A_1178 = tpu.vector_load %arg20[%swap3A_1176, %swap3A_1177] {strides = array<i32>} : memref<32x64xf32, #tpu.memory_space<vmem>>, vector<16xf32>,
    tpu.vector_store %arg20[%swap3A_1176, %swap3A_1177], %add3A_1174 {strides = array<i32>} : memref<32x64xf32, #tpu.memory_space<vmem>>, vector<16xf32>,
    %get3A_1179 = arith.constant 26 : i32
    %get3A_1180 = arith.index_cast %get3A_1179 : i32 to index
    %get3A_1181 = arith.constant 48 : index
    %get3A_1182 = tpu.vector_load %arg19[%get3A_1180, %get3A_1181] {strides = array<i32>} : memref<32x64xf32, #tpu.memory_space<vmem>>, vector<16xf32>,
    %add3A_1183 = arith.addf %get3A_1182, %add3A_944 : vector<16xf32>
    %swap3A_1184 = arith.constant 26 : i32
    %swap3A_1185 = arith.index_cast %swap3A_1184 : i32 to index
    %swap3A_1186 = arith.constant 48 : index
    %swap3A_1187 = tpu.vector_load %arg20[%swap3A_1185, %swap3A_1186] {strides = array<i32>} : memref<32x64xf32, #tpu.memory_space<vmem>>, vector<16xf32>,
    tpu.vector_store %arg20[%swap3A_1185, %swap3A_1186], %add3A_1183 {strides = array<i32>} : memref<32x64xf32, #tpu.memory_space<vmem>>, vector<16xf32>,
    %get3A_1188 = arith.constant 27 : i32
    %get3A_1189 = arith.index_cast %get3A_1188 : i32 to index
    %get3A_1190 = arith.constant 48 : index
    %get3A_1191 = tpu.vector_load %arg19[%get3A_1189, %get3A_1190] {strides = array<i32>} : memref<32x64xf32, #tpu.memory_space<vmem>>, vector<16xf32>,
    %add3A_1192 = arith.addf %get3A_1191, %add3A_944 : vector<16xf32>
    %swap3A_1193 = arith.constant 27 : i32
    %swap3A_1194 = arith.index_cast %swap3A_1193 : i32 to index
    %swap3A_1195 = arith.constant 48 : index
    %swap3A_1196 = tpu.vector_load %arg20[%swap3A_1194, %swap3A_1195] {strides = array<i32>} : memref<32x64xf32, #tpu.memory_space<vmem>>, vector<16xf32>,
    tpu.vector_store %arg20[%swap3A_1194, %swap3A_1195], %add3A_1192 {strides = array<i32>} : memref<32x64xf32, #tpu.memory_space<vmem>>, vector<16xf32>,
    %get3A_1197 = arith.constant 28 : i32
    %get3A_1198 = arith.index_cast %get3A_1197 : i32 to index
    %get3A_1199 = arith.constant 48 : index
    %get3A_1200 = tpu.vector_load %arg19[%get3A_1198, %get3A_1199] {strides = array<i32>} : memref<32x64xf32, #tpu.memory_space<vmem>>, vector<16xf32>,
    %add3A_1201 = arith.addf %get3A_1200, %add3A_944 : vector<16xf32>
    %swap3A_1202 = arith.constant 28 : i32
    %swap3A_1203 = arith.index_cast %swap3A_1202 : i32 to index
    %swap3A_1204 = arith.constant 48 : index
    %swap3A_1205 = tpu.vector_load %arg20[%swap3A_1203, %swap3A_1204] {strides = array<i32>} : memref<32x64xf32, #tpu.memory_space<vmem>>, vector<16xf32>,
    tpu.vector_store %arg20[%swap3A_1203, %swap3A_1204], %add3A_1201 {strides = array<i32>} : memref<32x64xf32, #tpu.memory_space<vmem>>, vector<16xf32>,
    %get3A_1206 = arith.constant 29 : i32
    %get3A_1207 = arith.index_cast %get3A_1206 : i32 to index
    %get3A_1208 = arith.constant 48 : index
    %get3A_1209 = tpu.vector_load %arg19[%get3A_1207, %get3A_1208] {strides = array<i32>} : memref<32x64xf32, #tpu.memory_space<vmem>>, vector<16xf32>,
    %add3A_1210 = arith.addf %get3A_1209, %add3A_944 : vector<16xf32>
    %swap3A_1211 = arith.constant 29 : i32
    %swap3A_1212 = arith.index_cast %swap3A_1211 : i32 to index
    %swap3A_1213 = arith.constant 48 : index
    %swap3A_1214 = tpu.vector_load %arg20[%swap3A_1212, %swap3A_1213] {strides = array<i32>} : memref<32x64xf32, #tpu.memory_space<vmem>>, vector<16xf32>,
    tpu.vector_store %arg20[%swap3A_1212, %swap3A_1213], %add3A_1210 {strides = array<i32>} : memref<32x64xf32, #tpu.memory_space<vmem>>, vector<16xf32>,
    %get3A_1215 = arith.constant 30 : i32
    %get3A_1216 = arith.index_cast %get3A_1215 : i32 to index
    %get3A_1217 = arith.constant 48 : index
    %get3A_1218 = tpu.vector_load %arg19[%get3A_1216, %get3A_1217] {strides = array<i32>} : memref<32x64xf32, #tpu.memory_space<vmem>>, vector<16xf32>,
    %add3A_1219 = arith.addf %get3A_1218, %add3A_944 : vector<16xf32>
    %swap3A_1220 = arith.constant 30 : i32
    %swap3A_1221 = arith.index_cast %swap3A_1220 : i32 to index
    %swap3A_1222 = arith.constant 48 : index
    %swap3A_1223 = tpu.vector_load %arg20[%swap3A_1221, %swap3A_1222] {strides = array<i32>} : memref<32x64xf32, #tpu.memory_space<vmem>>, vector<16xf32>,
    tpu.vector_store %arg20[%swap3A_1221, %swap3A_1222], %add3A_1219 {strides = array<i32>} : memref<32x64xf32, #tpu.memory_space<vmem>>, vector<16xf32>,
    %get3A_1224 = arith.constant 31 : i32
    %get3A_1225 = arith.index_cast %get3A_1224 : i32 to index
    %get3A_1226 = arith.constant 48 : index
    %get3A_1227 = tpu.vector_load %arg19[%get3A_1225, %get3A_1226] {strides = array<i32>} : memref<32x64xf32, #tpu.memory_space<vmem>>, vector<16xf32>,
    %add3A_1228 = arith.addf %get3A_1227, %add3A_944 : vector<16xf32>
    %swap3A_1229 = arith.constant 31 : i32
    %swap3A_1230 = arith.index_cast %swap3A_1229 : i32 to index
    %swap3A_1231 = arith.constant 48 : index
    %swap3A_1232 = tpu.vector_load %arg20[%swap3A_1230, %swap3A_1231] {strides = array<i32>} : memref<32x64xf32, #tpu.memory_space<vmem>>, vector<16xf32>,
    tpu.vector_store %arg20[%swap3A_1230, %swap3A_1231], %add3A_1228 {strides = array<i32>} : memref<32x64xf32, #tpu.memory_space<vmem>>, vector<16xf32>,
    %eq3A_1233 = arith.constant 0 : i32
    %eq3A_1234 = arith.cmpi eq, %select_n3A_30, %eq3A_1233 : i32
    %convert_element_type3A = arith.extui %eq3A_1234 : i1 to i32
    %cond3A = arith.constant 0 : i32
    %cond3A_1235 = arith.cmpi ne, %convert_element_type3A, %cond3A : i32
    scf.if %cond3A_1235 {
      %mul3A_1241 = arith.constant 67585 : i32
      %mul3A_1242 = arith.muli %select_n3A, %mul3A_1241 : i32
      "tpu.region"() ({
        %run_scoped3A = tpu.sem_alloc : memref<!tpu.dma_semaphore, #tpu.memory_space<semaphore_mem>>
        %dma_start3A_1243 = arith.constant 0 : i32
        %dma_start3A_1244 = tpu.memref_slice %arg12[%mul3A_1242, %dma_start3A_1243] : memref<540680x64xf32, #tpu.memory_space<hbm>> -> memref<1x64xf32, #tpu.memory_space<hbm>>
        %dma_start3A_1245 = arith.constant 0 : i32
        %dma_start3A_1246 = tpu.memref_slice %arg12[%mul3A_1242, %dma_start3A_1245] : memref<540680x64xf32, #tpu.memory_space<hbm>> -> memref<1x64xf32, #tpu.memory_space<hbm>>
        tpu.enqueue_dma source(%arg21 : memref<1x64xf32, #tpu.memory_space<vmem>>) target(%dma_start3A_1246 : memref<1x64xf32, #tpu.memory_space<hbm>>) target_semaphore(%run_scoped3A : memref<!tpu.dma_semaphore, #tpu.memory_space<semaphore_mem>>)
        %dma_wait3A_1247 = arith.constant 0 : i32
        %dma_wait3A_1248 = tpu.memref_slice %arg12[%mul3A_1242, %dma_wait3A_1247] : memref<540680x64xf32, #tpu.memory_space<hbm>> -> memref<1x64xf32, #tpu.memory_space<hbm>>
        %dma_wait3A_1249 = arith.constant 0 : i32
        %dma_wait3A_1250 = tpu.memref_slice %arg12[%mul3A_1242, %dma_wait3A_1249] : memref<540680x64xf32, #tpu.memory_space<hbm>> -> memref<1x64xf32, #tpu.memory_space<hbm>>
        tpu.wait_dma2 semaphore(%run_scoped3A : memref<!tpu.dma_semaphore, #tpu.memory_space<semaphore_mem>>) src(%arg21 : memref<1x64xf32, #tpu.memory_space<vmem>>) dst(%dma_wait3A_1250 : memref<1x64xf32, #tpu.memory_space<hbm>>)
        tpu.yield
      }) : () -> ()
    } else {
    }
    %iota3A = tpu.iota {dimensions = array<i32: 0>} : vector<16xi32>
    %scan3A = arith.constant 0 : i32
    %scan3A_1236 = arith.constant 0 : i32
    %scan3A_1237 = arith.constant 32 : i32
    %scan3A_1238 = arith.addi %scan3A_1236, %scan3A_1237 : i32
    %scan3A_1239 = arith.constant 1 : i32
    scf.for %scan3A_1241 = %scan3A_1236 to %scan3A_1238 step %scan3A_1239  : i32 {
      %mul3A_1242 = arith.constant 512 : i32
      %mul3A_1243 = arith.muli %select_n3A_30, %mul3A_1242 : i32
      %mul3A_1244 = arith.constant 16 : i32
      %mul3A_1245 = arith.muli %scan3A_1241, %mul3A_1244 : i32
      %add3A_1246 = arith.addi %mul3A_1243, %mul3A_1245 : i32
      %mul3A_1247 = arith.constant 67585 : i32
      %mul3A_1248 = arith.muli %select_n3A, %mul3A_1247 : i32
      %add3A_1249 = arith.constant 1 : i32
      %add3A_1250 = arith.addi %mul3A_1248, %add3A_1249 : i32
      %mul3A_1251 = arith.constant 33 : i32
      %mul3A_1252 = arith.muli %add3A_1246, %mul3A_1251 : i32
      %add3A_1253 = arith.addi %add3A_1250, %mul3A_1252 : i32
      %mul3A_1254 = arith.constant 32 : i32
      %mul3A_1255 = arith.muli %select_n3A, %mul3A_1254 : i32
      "tpu.region"() ({
        %run_scoped3A = tpu.sem_alloc : memref<!tpu.dma_semaphore, #tpu.memory_space<semaphore_mem>>
        %dma_start3A_1372 = tpu.memref_slice %arg2[%mul3A_1255, %add3A_1246] : memref<256x2048xi32, #tpu.memory_space<hbm>> -> memref<32x16xi32, #tpu.memory_space<hbm>>
        %dma_start3A_1373 = tpu.memref_slice %arg2[%mul3A_1255, %add3A_1246] : memref<256x2048xi32, #tpu.memory_space<hbm>> -> memref<32x16xi32, #tpu.memory_space<hbm>>
        tpu.enqueue_dma source(%dma_start3A_1373 : memref<32x16xi32, #tpu.memory_space<hbm>>) target(%arg22 : memref<32x16xi32, #tpu.memory_space<vmem>>) target_semaphore(%run_scoped3A : memref<!tpu.dma_semaphore, #tpu.memory_space<semaphore_mem>>)
        %dma_wait3A_1374 = tpu.memref_slice %arg2[%mul3A_1255, %add3A_1246] : memref<256x2048xi32, #tpu.memory_space<hbm>> -> memref<32x16xi32, #tpu.memory_space<hbm>>
        %dma_wait3A_1375 = tpu.memref_slice %arg2[%mul3A_1255, %add3A_1246] : memref<256x2048xi32, #tpu.memory_space<hbm>> -> memref<32x16xi32, #tpu.memory_space<hbm>>
        tpu.wait_dma2 semaphore(%run_scoped3A : memref<!tpu.dma_semaphore, #tpu.memory_space<semaphore_mem>>) src(%dma_wait3A_1375 : memref<32x16xi32, #tpu.memory_space<hbm>>) dst(%arg22 : memref<32x16xi32, #tpu.memory_space<vmem>>)
        tpu.yield
      }) : () -> ()
      "tpu.region"() ({
        %run_scoped3A = tpu.sem_alloc : memref<!tpu.dma_semaphore, #tpu.memory_space<semaphore_mem>>
        %dma_start3A_1372 = arith.constant 0 : i32
        %dma_start3A_1373 = tpu.memref_slice %arg11[%add3A_1246, %dma_start3A_1372] : memref<2048x64xf32, #tpu.memory_space<hbm>> -> memref<16x64xf32, #tpu.memory_space<hbm>>
        %dma_start3A_1374 = arith.constant 0 : i32
        %dma_start3A_1375 = tpu.memref_slice %arg11[%add3A_1246, %dma_start3A_1374] : memref<2048x64xf32, #tpu.memory_space<hbm>> -> memref<16x64xf32, #tpu.memory_space<hbm>>
        tpu.enqueue_dma source(%dma_start3A_1375 : memref<16x64xf32, #tpu.memory_space<hbm>>) target(%arg23 : memref<16x64xf32, #tpu.memory_space<vmem>>) target_semaphore(%run_scoped3A : memref<!tpu.dma_semaphore, #tpu.memory_space<semaphore_mem>>)
        %dma_wait3A_1376 = arith.constant 0 : i32
        %dma_wait3A_1377 = tpu.memref_slice %arg11[%add3A_1246, %dma_wait3A_1376] : memref<2048x64xf32, #tpu.memory_space<hbm>> -> memref<16x64xf32, #tpu.memory_space<hbm>>
        %dma_wait3A_1378 = arith.constant 0 : i32
        %dma_wait3A_1379 = tpu.memref_slice %arg11[%add3A_1246, %dma_wait3A_1378] : memref<2048x64xf32, #tpu.memory_space<hbm>> -> memref<16x64xf32, #tpu.memory_space<hbm>>
        tpu.wait_dma2 semaphore(%run_scoped3A : memref<!tpu.dma_semaphore, #tpu.memory_space<semaphore_mem>>) src(%dma_wait3A_1379 : memref<16x64xf32, #tpu.memory_space<hbm>>) dst(%arg23 : memref<16x64xf32, #tpu.memory_space<vmem>>)
        tpu.yield
      }) : () -> ()
      %scan3A_1256 = arith.constant 0 : i32
      %scan3A_1257 = arith.constant 0 : i32
      %scan3A_1258 = arith.constant 32 : i32
      %scan3A_1259 = arith.addi %scan3A_1257, %scan3A_1258 : i32
      %scan3A_1260 = arith.constant 1 : i32
      scf.for %scan3A_1372 = %scan3A_1257 to %scan3A_1259 step %scan3A_1260  : i32 {
        %mul3A_1373 = arith.constant 33 : i32
        %mul3A_1374 = vector.broadcast %mul3A_1373 : i32 to vector<16xi32>
        %mul3A_1375 = arith.muli %iota3A, %mul3A_1374 : vector<16xi32>
        %add3A_1376 = vector.broadcast %scan3A_1372 : i32 to vector<16xi32>
        %add3A_1377 = arith.addi %mul3A_1375, %add3A_1376 : vector<16xi32>
        %get3A_1378 = arith.index_cast %scan3A_1372 : i32 to index
        %get3A_1379 = arith.constant 0 : index
        %get3A_1380 = tpu.vector_load %arg22[%get3A_1378, %get3A_1379] {strides = array<i32>} : memref<32x16xi32, #tpu.memory_space<vmem>>, vector<16xi32>,
        %mul3A_1381 = arith.constant 256 : i32
        %mul3A_1382 = arith.muli %scan3A_1372, %mul3A_1381 : i32
        %add3A_1383 = vector.broadcast %mul3A_1382 : i32 to vector<16xi32>
        %add3A_1384 = arith.addi %get3A_1380, %add3A_1383 : vector<16xi32>
        tpu.vector_store_idx %arg24[%add3A_1377], %add3A_1384 : memref<528xi32, #tpu.memory_space<vmem>>[vector<16xi32>], vector<16xi32>,
      }
      %scan3A_1261 = arith.constant 32 : i32
      %mul3A_1262 = arith.constant 33 : i32
      %mul3A_1263 = vector.broadcast %mul3A_1262 : i32 to vector<16xi32>
      %mul3A_1264 = arith.muli %iota3A, %mul3A_1263 : vector<16xi32>
      %add3A_1265 = arith.constant 32 : i32
      %add3A_1266 = vector.broadcast %add3A_1265 : i32 to vector<16xi32>
      %add3A_1267 = arith.addi %mul3A_1264, %add3A_1266 : vector<16xi32>
      %broadcast_in_dim3A_1268 = arith.constant 8192 : i32
      %broadcast_in_dim3A_1269 = vector.broadcast %broadcast_in_dim3A_1268 : i32 to vector<16xi32>
      tpu.vector_store_idx %arg24[%add3A_1267], %broadcast_in_dim3A_1269 : memref<528xi32, #tpu.memory_space<vmem>>[vector<16xi32>], vector<16xi32>,
      %dma_start3A_1270 = arith.constant 0 : i32
      %dma_start3A_1271 = arith.constant 0 : i32
      %dma_start3A_1272 = tpu.memref_slice %arg25[%dma_start3A_1270, %dma_start3A_1271] : memref<528x64xf32, #tpu.memory_space<vmem>> -> memref<88x64xf32, #tpu.memory_space<vmem>>
      %dma_start3A_1273 = arith.constant 0 : i32
      %dma_start3A_1274 = tpu.memref_slice %arg24[%dma_start3A_1273] : memref<528xi32, #tpu.memory_space<vmem>> -> memref<88xi32, #tpu.memory_space<vmem>>
      %dma_start3A_1275 = arith.constant 0 : i32
      %dma_start3A_1276 = arith.constant 0 : i32
      %dma_start3A_1277 = tpu.memref_slice %arg6[%dma_start3A_1275, %dma_start3A_1276] : memref<8200x64xf32, #tpu.memory_space<hbm>> -> memref<8200x64xf32, #tpu.memory_space<hbm>>
      tpu.enqueue_indirect_dma source(%dma_start3A_1277 : memref<8200x64xf32, #tpu.memory_space<hbm>>) target(%dma_start3A_1272 : memref<88x64xf32, #tpu.memory_space<vmem>>) offsets(%dma_start3A_1274 : memref<88xi32, #tpu.memory_space<vmem>>) semaphore(%arg26 : memref<!tpu.dma_semaphore, #tpu.memory_space<semaphore_mem>>)
      %dma_start3A_1278 = arith.constant 88 : i32
      %dma_start3A_1279 = arith.constant 0 : i32
      %dma_start3A_1280 = tpu.memref_slice %arg25[%dma_start3A_1278, %dma_start3A_1279] : memref<528x64xf32, #tpu.memory_space<vmem>> -> memref<88x64xf32, #tpu.memory_space<vmem>>
      %dma_start3A_1281 = arith.constant 88 : i32
      %dma_start3A_1282 = tpu.memref_slice %arg24[%dma_start3A_1281] : memref<528xi32, #tpu.memory_space<vmem>> -> memref<88xi32, #tpu.memory_space<vmem>>
      %dma_start3A_1283 = arith.constant 0 : i32
      %dma_start3A_1284 = arith.constant 0 : i32
      %dma_start3A_1285 = tpu.memref_slice %arg6[%dma_start3A_1283, %dma_start3A_1284] : memref<8200x64xf32, #tpu.memory_space<hbm>> -> memref<8200x64xf32, #tpu.memory_space<hbm>>
      tpu.enqueue_indirect_dma source(%dma_start3A_1285 : memref<8200x64xf32, #tpu.memory_space<hbm>>) target(%dma_start3A_1280 : memref<88x64xf32, #tpu.memory_space<vmem>>) offsets(%dma_start3A_1282 : memref<88xi32, #tpu.memory_space<vmem>>) semaphore(%arg26 : memref<!tpu.dma_semaphore, #tpu.memory_space<semaphore_mem>>)
      %dma_start3A_1286 = arith.constant 176 : i32
      %dma_start3A_1287 = arith.constant 0 : i32
      %dma_start3A_1288 = tpu.memref_slice %arg25[%dma_start3A_1286, %dma_start3A_1287] : memref<528x64xf32, #tpu.memory_space<vmem>> -> memref<88x64xf32, #tpu.memory_space<vmem>>
      %dma_start3A_1289 = arith.constant 176 : i32
      %dma_start3A_1290 = tpu.memref_slice %arg24[%dma_start3A_1289] : memref<528xi32, #tpu.memory_space<vmem>> -> memref<88xi32, #tpu.memory_space<vmem>>
      %dma_start3A_1291 = arith.constant 0 : i32
      %dma_start3A_1292 = arith.constant 0 : i32
      %dma_start3A_1293 = tpu.memref_slice %arg6[%dma_start3A_1291, %dma_start3A_1292] : memref<8200x64xf32, #tpu.memory_space<hbm>> -> memref<8200x64xf32, #tpu.memory_space<hbm>>
      tpu.enqueue_indirect_dma source(%dma_start3A_1293 : memref<8200x64xf32, #tpu.memory_space<hbm>>) target(%dma_start3A_1288 : memref<88x64xf32, #tpu.memory_space<vmem>>) offsets(%dma_start3A_1290 : memref<88xi32, #tpu.memory_space<vmem>>) semaphore(%arg26 : memref<!tpu.dma_semaphore, #tpu.memory_space<semaphore_mem>>)
      %dma_start3A_1294 = arith.constant 264 : i32
      %dma_start3A_1295 = arith.constant 0 : i32
      %dma_start3A_1296 = tpu.memref_slice %arg25[%dma_start3A_1294, %dma_start3A_1295] : memref<528x64xf32, #tpu.memory_space<vmem>> -> memref<88x64xf32, #tpu.memory_space<vmem>>
      %dma_start3A_1297 = arith.constant 264 : i32
      %dma_start3A_1298 = tpu.memref_slice %arg24[%dma_start3A_1297] : memref<528xi32, #tpu.memory_space<vmem>> -> memref<88xi32, #tpu.memory_space<vmem>>
      %dma_start3A_1299 = arith.constant 0 : i32
      %dma_start3A_1300 = arith.constant 0 : i32
      %dma_start3A_1301 = tpu.memref_slice %arg6[%dma_start3A_1299, %dma_start3A_1300] : memref<8200x64xf32, #tpu.memory_space<hbm>> -> memref<8200x64xf32, #tpu.memory_space<hbm>>
      tpu.enqueue_indirect_dma source(%dma_start3A_1301 : memref<8200x64xf32, #tpu.memory_space<hbm>>) target(%dma_start3A_1296 : memref<88x64xf32, #tpu.memory_space<vmem>>) offsets(%dma_start3A_1298 : memref<88xi32, #tpu.memory_space<vmem>>) semaphore(%arg26 : memref<!tpu.dma_semaphore, #tpu.memory_space<semaphore_mem>>)
      %dma_start3A_1302 = arith.constant 352 : i32
      %dma_start3A_1303 = arith.constant 0 : i32
      %dma_start3A_1304 = tpu.memref_slice %arg25[%dma_start3A_1302, %dma_start3A_1303] : memref<528x64xf32, #tpu.memory_space<vmem>> -> memref<88x64xf32, #tpu.memory_space<vmem>>
      %dma_start3A_1305 = arith.constant 352 : i32
      %dma_start3A_1306 = tpu.memref_slice %arg24[%dma_start3A_1305] : memref<528xi32, #tpu.memory_space<vmem>> -> memref<88xi32, #tpu.memory_space<vmem>>
      %dma_start3A_1307 = arith.constant 0 : i32
      %dma_start3A_1308 = arith.constant 0 : i32
      %dma_start3A_1309 = tpu.memref_slice %arg6[%dma_start3A_1307, %dma_start3A_1308] : memref<8200x64xf32, #tpu.memory_space<hbm>> -> memref<8200x64xf32, #tpu.memory_space<hbm>>
      tpu.enqueue_indirect_dma source(%dma_start3A_1309 : memref<8200x64xf32, #tpu.memory_space<hbm>>) target(%dma_start3A_1304 : memref<88x64xf32, #tpu.memory_space<vmem>>) offsets(%dma_start3A_1306 : memref<88xi32, #tpu.memory_space<vmem>>) semaphore(%arg26 : memref<!tpu.dma_semaphore, #tpu.memory_space<semaphore_mem>>)
      %dma_start3A_1310 = arith.constant 440 : i32
      %dma_start3A_1311 = arith.constant 0 : i32
      %dma_start3A_1312 = tpu.memref_slice %arg25[%dma_start3A_1310, %dma_start3A_1311] : memref<528x64xf32, #tpu.memory_space<vmem>> -> memref<88x64xf32, #tpu.memory_space<vmem>>
      %dma_start3A_1313 = arith.constant 440 : i32
      %dma_start3A_1314 = tpu.memref_slice %arg24[%dma_start3A_1313] : memref<528xi32, #tpu.memory_space<vmem>> -> memref<88xi32, #tpu.memory_space<vmem>>
      %dma_start3A_1315 = arith.constant 0 : i32
      %dma_start3A_1316 = arith.constant 0 : i32
      %dma_start3A_1317 = tpu.memref_slice %arg6[%dma_start3A_1315, %dma_start3A_1316] : memref<8200x64xf32, #tpu.memory_space<hbm>> -> memref<8200x64xf32, #tpu.memory_space<hbm>>
      tpu.enqueue_indirect_dma source(%dma_start3A_1317 : memref<8200x64xf32, #tpu.memory_space<hbm>>) target(%dma_start3A_1312 : memref<88x64xf32, #tpu.memory_space<vmem>>) offsets(%dma_start3A_1314 : memref<88xi32, #tpu.memory_space<vmem>>) semaphore(%arg26 : memref<!tpu.dma_semaphore, #tpu.memory_space<semaphore_mem>>)
      %dma_wait3A_1318 = arith.constant 0 : i32
      %dma_wait3A_1319 = arith.constant 0 : i32
      %dma_wait3A_1320 = tpu.memref_slice %arg25[%dma_wait3A_1318, %dma_wait3A_1319] : memref<528x64xf32, #tpu.memory_space<vmem>> -> memref<88x64xf32, #tpu.memory_space<vmem>>
      %dma_wait3A_1321 = arith.constant 0 : i32
      %dma_wait3A_1322 = tpu.memref_slice %arg24[%dma_wait3A_1321] : memref<528xi32, #tpu.memory_space<vmem>> -> memref<88xi32, #tpu.memory_space<vmem>>
      %dma_wait3A_1323 = arith.constant 0 : i32
      %dma_wait3A_1324 = arith.constant 0 : i32
      %dma_wait3A_1325 = tpu.memref_slice %arg6[%dma_wait3A_1323, %dma_wait3A_1324] : memref<8200x64xf32, #tpu.memory_space<hbm>> -> memref<8200x64xf32, #tpu.memory_space<hbm>>
      tpu.wait_indirect_dma semaphore(%arg26 : memref<!tpu.dma_semaphore, #tpu.memory_space<semaphore_mem>>) src(%dma_wait3A_1325 : memref<8200x64xf32, #tpu.memory_space<hbm>>) dst(%dma_wait3A_1320 : memref<88x64xf32, #tpu.memory_space<vmem>>)
      %dma_wait3A_1326 = arith.constant 88 : i32
      %dma_wait3A_1327 = arith.constant 0 : i32
      %dma_wait3A_1328 = tpu.memref_slice %arg25[%dma_wait3A_1326, %dma_wait3A_1327] : memref<528x64xf32, #tpu.memory_space<vmem>> -> memref<88x64xf32, #tpu.memory_space<vmem>>
      %dma_wait3A_1329 = arith.constant 88 : i32
      %dma_wait3A_1330 = tpu.memref_slice %arg24[%dma_wait3A_1329] : memref<528xi32, #tpu.memory_space<vmem>> -> memref<88xi32, #tpu.memory_space<vmem>>
      %dma_wait3A_1331 = arith.constant 0 : i32
      %dma_wait3A_1332 = arith.constant 0 : i32
      %dma_wait3A_1333 = tpu.memref_slice %arg6[%dma_wait3A_1331, %dma_wait3A_1332] : memref<8200x64xf32, #tpu.memory_space<hbm>> -> memref<8200x64xf32, #tpu.memory_space<hbm>>
      tpu.wait_indirect_dma semaphore(%arg26 : memref<!tpu.dma_semaphore, #tpu.memory_space<semaphore_mem>>) src(%dma_wait3A_1333 : memref<8200x64xf32, #tpu.memory_space<hbm>>) dst(%dma_wait3A_1328 : memref<88x64xf32, #tpu.memory_space<vmem>>)
      %dma_wait3A_1334 = arith.constant 176 : i32
      %dma_wait3A_1335 = arith.constant 0 : i32
      %dma_wait3A_1336 = tpu.memref_slice %arg25[%dma_wait3A_1334, %dma_wait3A_1335] : memref<528x64xf32, #tpu.memory_space<vmem>> -> memref<88x64xf32, #tpu.memory_space<vmem>>
      %dma_wait3A_1337 = arith.constant 176 : i32
      %dma_wait3A_1338 = tpu.memref_slice %arg24[%dma_wait3A_1337] : memref<528xi32, #tpu.memory_space<vmem>> -> memref<88xi32, #tpu.memory_space<vmem>>
      %dma_wait3A_1339 = arith.constant 0 : i32
      %dma_wait3A_1340 = arith.constant 0 : i32
      %dma_wait3A_1341 = tpu.memref_slice %arg6[%dma_wait3A_1339, %dma_wait3A_1340] : memref<8200x64xf32, #tpu.memory_space<hbm>> -> memref<8200x64xf32, #tpu.memory_space<hbm>>
      tpu.wait_indirect_dma semaphore(%arg26 : memref<!tpu.dma_semaphore, #tpu.memory_space<semaphore_mem>>) src(%dma_wait3A_1341 : memref<8200x64xf32, #tpu.memory_space<hbm>>) dst(%dma_wait3A_1336 : memref<88x64xf32, #tpu.memory_space<vmem>>)
      %dma_wait3A_1342 = arith.constant 264 : i32
      %dma_wait3A_1343 = arith.constant 0 : i32
      %dma_wait3A_1344 = tpu.memref_slice %arg25[%dma_wait3A_1342, %dma_wait3A_1343] : memref<528x64xf32, #tpu.memory_space<vmem>> -> memref<88x64xf32, #tpu.memory_space<vmem>>
      %dma_wait3A_1345 = arith.constant 264 : i32
      %dma_wait3A_1346 = tpu.memref_slice %arg24[%dma_wait3A_1345] : memref<528xi32, #tpu.memory_space<vmem>> -> memref<88xi32, #tpu.memory_space<vmem>>
      %dma_wait3A_1347 = arith.constant 0 : i32
      %dma_wait3A_1348 = arith.constant 0 : i32
      %dma_wait3A_1349 = tpu.memref_slice %arg6[%dma_wait3A_1347, %dma_wait3A_1348] : memref<8200x64xf32, #tpu.memory_space<hbm>> -> memref<8200x64xf32, #tpu.memory_space<hbm>>
      tpu.wait_indirect_dma semaphore(%arg26 : memref<!tpu.dma_semaphore, #tpu.memory_space<semaphore_mem>>) src(%dma_wait3A_1349 : memref<8200x64xf32, #tpu.memory_space<hbm>>) dst(%dma_wait3A_1344 : memref<88x64xf32, #tpu.memory_space<vmem>>)
      %dma_wait3A_1350 = arith.constant 352 : i32
      %dma_wait3A_1351 = arith.constant 0 : i32
      %dma_wait3A_1352 = tpu.memref_slice %arg25[%dma_wait3A_1350, %dma_wait3A_1351] : memref<528x64xf32, #tpu.memory_space<vmem>> -> memref<88x64xf32, #tpu.memory_space<vmem>>
      %dma_wait3A_1353 = arith.constant 352 : i32
      %dma_wait3A_1354 = tpu.memref_slice %arg24[%dma_wait3A_1353] : memref<528xi32, #tpu.memory_space<vmem>> -> memref<88xi32, #tpu.memory_space<vmem>>
      %dma_wait3A_1355 = arith.constant 0 : i32
      %dma_wait3A_1356 = arith.constant 0 : i32
      %dma_wait3A_1357 = tpu.memref_slice %arg6[%dma_wait3A_1355, %dma_wait3A_1356] : memref<8200x64xf32, #tpu.memory_space<hbm>> -> memref<8200x64xf32, #tpu.memory_space<hbm>>
      tpu.wait_indirect_dma semaphore(%arg26 : memref<!tpu.dma_semaphore, #tpu.memory_space<semaphore_mem>>) src(%dma_wait3A_1357 : memref<8200x64xf32, #tpu.memory_space<hbm>>) dst(%dma_wait3A_1352 : memref<88x64xf32, #tpu.memory_space<vmem>>)
      %dma_wait3A_1358 = arith.constant 440 : i32
      %dma_wait3A_1359 = arith.constant 0 : i32
      %dma_wait3A_1360 = tpu.memref_slice %arg25[%dma_wait3A_1358, %dma_wait3A_1359] : memref<528x64xf32, #tpu.memory_space<vmem>> -> memref<88x64xf32, #tpu.memory_space<vmem>>
      %dma_wait3A_1361 = arith.constant 440 : i32
      %dma_wait3A_1362 = tpu.memref_slice %arg24[%dma_wait3A_1361] : memref<528xi32, #tpu.memory_space<vmem>> -> memref<88xi32, #tpu.memory_space<vmem>>
      %dma_wait3A_1363 = arith.constant 0 : i32
      %dma_wait3A_1364 = arith.constant 0 : i32
      %dma_wait3A_1365 = tpu.memref_slice %arg6[%dma_wait3A_1363, %dma_wait3A_1364] : memref<8200x64xf32, #tpu.memory_space<hbm>> -> memref<8200x64xf32, #tpu.memory_space<hbm>>
      tpu.wait_indirect_dma semaphore(%arg26 : memref<!tpu.dma_semaphore, #tpu.memory_space<semaphore_mem>>) src(%dma_wait3A_1365 : memref<8200x64xf32, #tpu.memory_space<hbm>>) dst(%dma_wait3A_1360 : memref<88x64xf32, #tpu.memory_space<vmem>>)
      %scan3A_1366 = arith.constant 0 : i32
      %scan3A_1367 = arith.constant 0 : i32
      %scan3A_1368 = arith.constant 16 : i32
      %scan3A_1369 = arith.addi %scan3A_1367, %scan3A_1368 : i32
      %scan3A_1370 = arith.constant 1 : i32
      scf.for %scan3A_1372 = %scan3A_1367 to %scan3A_1369 step %scan3A_1370  : i32 {
        %get3A_1373 = arith.index_cast %scan3A_1372 : i32 to index
        %get3A_1374 = arith.constant 0 : index
        %get3A_1375 = tpu.vector_load %arg23[%get3A_1373, %get3A_1374] {strides = array<i32>} : memref<16x64xf32, #tpu.memory_space<vmem>>, vector<16xf32>,
        %get3A_1376 = arith.index_cast %scan3A_1372 : i32 to index
        %get3A_1377 = arith.constant 16 : index
        %get3A_1378 = tpu.vector_load %arg23[%get3A_1376, %get3A_1377] {strides = array<i32>} : memref<16x64xf32, #tpu.memory_space<vmem>>, vector<16xf32>,
        %get3A_1379 = arith.index_cast %scan3A_1372 : i32 to index
        %get3A_1380 = arith.constant 32 : index
        %get3A_1381 = tpu.vector_load %arg23[%get3A_1379, %get3A_1380] {strides = array<i32>} : memref<16x64xf32, #tpu.memory_space<vmem>>, vector<16xf32>,
        %get3A_1382 = arith.index_cast %scan3A_1372 : i32 to index
        %get3A_1383 = arith.constant 48 : index
        %get3A_1384 = tpu.vector_load %arg23[%get3A_1382, %get3A_1383] {strides = array<i32>} : memref<16x64xf32, #tpu.memory_space<vmem>>, vector<16xf32>,
        %scan3A_1385 = arith.constant 0 : i32
        %scan3A_1386 = arith.constant 0 : i32
        %scan3A_1387 = arith.constant 32 : i32
        %scan3A_1388 = arith.addi %scan3A_1386, %scan3A_1387 : i32
        %scan3A_1389 = arith.constant 1 : i32
        scf.for %scan3A_1423 = %scan3A_1386 to %scan3A_1388 step %scan3A_1389  : i32 {
          %mul3A_1424 = arith.constant 33 : i32
          %mul3A_1425 = arith.muli %scan3A_1372, %mul3A_1424 : i32
          %add3A_1426 = arith.addi %mul3A_1425, %scan3A_1423 : i32
          %get3A_1427 = arith.index_cast %scan3A_1423 : i32 to index
          %get3A_1428 = arith.constant 0 : index
          %get3A_1429 = tpu.vector_load %arg20[%get3A_1427, %get3A_1428] {strides = array<i32>} : memref<32x64xf32, #tpu.memory_space<vmem>>, vector<16xf32>,
          %add3A_1430 = arith.addf %get3A_1429, %get3A_1375 : vector<16xf32>
          %swap3A_1431 = arith.index_cast %add3A_1426 : i32 to index
          %swap3A_1432 = arith.constant 0 : index
          %swap3A_1433 = tpu.vector_load %arg25[%swap3A_1431, %swap3A_1432] {strides = array<i32>} : memref<528x64xf32, #tpu.memory_space<vmem>>, vector<16xf32>,
          tpu.vector_store %arg25[%swap3A_1431, %swap3A_1432], %add3A_1430 {add = true, strides = array<i32>} : memref<528x64xf32, #tpu.memory_space<vmem>>, vector<16xf32>,
          %get3A_1434 = arith.index_cast %scan3A_1423 : i32 to index
          %get3A_1435 = arith.constant 16 : index
          %get3A_1436 = tpu.vector_load %arg20[%get3A_1434, %get3A_1435] {strides = array<i32>} : memref<32x64xf32, #tpu.memory_space<vmem>>, vector<16xf32>,
          %add3A_1437 = arith.addf %get3A_1436, %get3A_1378 : vector<16xf32>
          %swap3A_1438 = arith.index_cast %add3A_1426 : i32 to index
          %swap3A_1439 = arith.constant 16 : index
          %swap3A_1440 = tpu.vector_load %arg25[%swap3A_1438, %swap3A_1439] {strides = array<i32>} : memref<528x64xf32, #tpu.memory_space<vmem>>, vector<16xf32>,
          tpu.vector_store %arg25[%swap3A_1438, %swap3A_1439], %add3A_1437 {add = true, strides = array<i32>} : memref<528x64xf32, #tpu.memory_space<vmem>>, vector<16xf32>,
          %get3A_1441 = arith.index_cast %scan3A_1423 : i32 to index
          %get3A_1442 = arith.constant 32 : index
          %get3A_1443 = tpu.vector_load %arg20[%get3A_1441, %get3A_1442] {strides = array<i32>} : memref<32x64xf32, #tpu.memory_space<vmem>>, vector<16xf32>,
          %add3A_1444 = arith.addf %get3A_1443, %get3A_1381 : vector<16xf32>
          %swap3A_1445 = arith.index_cast %add3A_1426 : i32 to index
          %swap3A_1446 = arith.constant 32 : index
          %swap3A_1447 = tpu.vector_load %arg25[%swap3A_1445, %swap3A_1446] {strides = array<i32>} : memref<528x64xf32, #tpu.memory_space<vmem>>, vector<16xf32>,
          tpu.vector_store %arg25[%swap3A_1445, %swap3A_1446], %add3A_1444 {add = true, strides = array<i32>} : memref<528x64xf32, #tpu.memory_space<vmem>>, vector<16xf32>,
          %get3A_1448 = arith.index_cast %scan3A_1423 : i32 to index
          %get3A_1449 = arith.constant 48 : index
          %get3A_1450 = tpu.vector_load %arg20[%get3A_1448, %get3A_1449] {strides = array<i32>} : memref<32x64xf32, #tpu.memory_space<vmem>>, vector<16xf32>,
          %add3A_1451 = arith.addf %get3A_1450, %get3A_1384 : vector<16xf32>
          %swap3A_1452 = arith.index_cast %add3A_1426 : i32 to index
          %swap3A_1453 = arith.constant 48 : index
          %swap3A_1454 = tpu.vector_load %arg25[%swap3A_1452, %swap3A_1453] {strides = array<i32>} : memref<528x64xf32, #tpu.memory_space<vmem>>, vector<16xf32>,
          tpu.vector_store %arg25[%swap3A_1452, %swap3A_1453], %add3A_1451 {add = true, strides = array<i32>} : memref<528x64xf32, #tpu.memory_space<vmem>>, vector<16xf32>,
        }
        %scan3A_1390 = arith.constant 32 : i32
        %mul3A_1391 = arith.constant 33 : i32
        %mul3A_1392 = arith.muli %scan3A_1372, %mul3A_1391 : i32
        %add3A_1393 = arith.constant 32 : i32
        %add3A_1394 = arith.addi %mul3A_1392, %add3A_1393 : i32
        %get3A_1395 = arith.constant 0 : i32
        %get3A_1396 = arith.index_cast %get3A_1395 : i32 to index
        %get3A_1397 = arith.constant 0 : index
        %get3A_1398 = tpu.vector_load %arg21[%get3A_1396, %get3A_1397] {strides = array<i32>} : memref<1x64xf32, #tpu.memory_space<vmem>>, vector<16xf32>,
        %swap3A_1399 = arith.index_cast %add3A_1394 : i32 to index
        %swap3A_1400 = arith.constant 0 : index
        %swap3A_1401 = tpu.vector_load %arg25[%swap3A_1399, %swap3A_1400] {strides = array<i32>} : memref<528x64xf32, #tpu.memory_space<vmem>>, vector<16xf32>,
        tpu.vector_store %arg25[%swap3A_1399, %swap3A_1400], %get3A_1398 {strides = array<i32>} : memref<528x64xf32, #tpu.memory_space<vmem>>, vector<16xf32>,
        %get3A_1402 = arith.constant 0 : i32
        %get3A_1403 = arith.index_cast %get3A_1402 : i32 to index
        %get3A_1404 = arith.constant 16 : index
        %get3A_1405 = tpu.vector_load %arg21[%get3A_1403, %get3A_1404] {strides = array<i32>} : memref<1x64xf32, #tpu.memory_space<vmem>>, vector<16xf32>,
        %swap3A_1406 = arith.index_cast %add3A_1394 : i32 to index
        %swap3A_1407 = arith.constant 16 : index
        %swap3A_1408 = tpu.vector_load %arg25[%swap3A_1406, %swap3A_1407] {strides = array<i32>} : memref<528x64xf32, #tpu.memory_space<vmem>>, vector<16xf32>,
        tpu.vector_store %arg25[%swap3A_1406, %swap3A_1407], %get3A_1405 {strides = array<i32>} : memref<528x64xf32, #tpu.memory_space<vmem>>, vector<16xf32>,
        %get3A_1409 = arith.constant 0 : i32
        %get3A_1410 = arith.index_cast %get3A_1409 : i32 to index
        %get3A_1411 = arith.constant 32 : index
        %get3A_1412 = tpu.vector_load %arg21[%get3A_1410, %get3A_1411] {strides = array<i32>} : memref<1x64xf32, #tpu.memory_space<vmem>>, vector<16xf32>,
        %swap3A_1413 = arith.index_cast %add3A_1394 : i32 to index
        %swap3A_1414 = arith.constant 32 : index
        %swap3A_1415 = tpu.vector_load %arg25[%swap3A_1413, %swap3A_1414] {strides = array<i32>} : memref<528x64xf32, #tpu.memory_space<vmem>>, vector<16xf32>,
        tpu.vector_store %arg25[%swap3A_1413, %swap3A_1414], %get3A_1412 {strides = array<i32>} : memref<528x64xf32, #tpu.memory_space<vmem>>, vector<16xf32>,
        %get3A_1416 = arith.constant 0 : i32
        %get3A_1417 = arith.index_cast %get3A_1416 : i32 to index
        %get3A_1418 = arith.constant 48 : index
        %get3A_1419 = tpu.vector_load %arg21[%get3A_1417, %get3A_1418] {strides = array<i32>} : memref<1x64xf32, #tpu.memory_space<vmem>>, vector<16xf32>,
        %swap3A_1420 = arith.index_cast %add3A_1394 : i32 to index
        %swap3A_1421 = arith.constant 48 : index
        %swap3A_1422 = tpu.vector_load %arg25[%swap3A_1420, %swap3A_1421] {strides = array<i32>} : memref<528x64xf32, #tpu.memory_space<vmem>>, vector<16xf32>,
        tpu.vector_store %arg25[%swap3A_1420, %swap3A_1421], %get3A_1419 {strides = array<i32>} : memref<528x64xf32, #tpu.memory_space<vmem>>, vector<16xf32>,
      }
      %scan3A_1371 = arith.constant 16 : i32
      "tpu.region"() ({
        %run_scoped3A = tpu.sem_alloc : memref<!tpu.dma_semaphore, #tpu.memory_space<semaphore_mem>>
        %dma_start3A_1372 = arith.constant 0 : i32
        %dma_start3A_1373 = tpu.memref_slice %arg12[%add3A_1253, %dma_start3A_1372] : memref<540680x64xf32, #tpu.memory_space<hbm>> -> memref<528x64xf32, #tpu.memory_space<hbm>>
        %dma_start3A_1374 = arith.constant 0 : i32
        %dma_start3A_1375 = tpu.memref_slice %arg12[%add3A_1253, %dma_start3A_1374] : memref<540680x64xf32, #tpu.memory_space<hbm>> -> memref<528x64xf32, #tpu.memory_space<hbm>>
        tpu.enqueue_dma source(%arg25 : memref<528x64xf32, #tpu.memory_space<vmem>>) target(%dma_start3A_1375 : memref<528x64xf32, #tpu.memory_space<hbm>>) target_semaphore(%run_scoped3A : memref<!tpu.dma_semaphore, #tpu.memory_space<semaphore_mem>>)
        %dma_wait3A_1376 = arith.constant 0 : i32
        %dma_wait3A_1377 = tpu.memref_slice %arg12[%add3A_1253, %dma_wait3A_1376] : memref<540680x64xf32, #tpu.memory_space<hbm>> -> memref<528x64xf32, #tpu.memory_space<hbm>>
        %dma_wait3A_1378 = arith.constant 0 : i32
        %dma_wait3A_1379 = tpu.memref_slice %arg12[%add3A_1253, %dma_wait3A_1378] : memref<540680x64xf32, #tpu.memory_space<hbm>> -> memref<528x64xf32, #tpu.memory_space<hbm>>
        tpu.wait_dma2 semaphore(%run_scoped3A : memref<!tpu.dma_semaphore, #tpu.memory_space<semaphore_mem>>) src(%arg25 : memref<528x64xf32, #tpu.memory_space<vmem>>) dst(%dma_wait3A_1379 : memref<528x64xf32, #tpu.memory_space<hbm>>)
        tpu.yield
      }) : () -> ()
    }
    %scan3A_1240 = arith.constant 32 : i32
    return
  }
}

</mosaic_0001>

<sc_bundles>
// kernel: kernel.3.cloned.1.call-start
scs
__scs_entry_jumppad:
0x0: {  	(pc) =	sbr.rel $0x88, $3  }
0x1: {  	(tag) =	ssettag $0x0;
	lr =	simm.s32 $0x1  }
0x2: {  	[smem:$0x3F97] =	sst lr;
	_ =	strace $0xD0000000  }
0x3: {  	_ = 	snop  }
0x4: {  	_ = 	snop  }
0x5: {  	_ = 	snop  }
0x6: {  	_ = 	snop  }
0x7: {  	_ = 	snop  }
__scs_overlays_trampoline_lowered:
0x8: {  	[smem:$0x3FA6] =	sst s0  }
0x9: {  	[smem:$0x3FA7] =	sst s1  }
0xa: {  	[smem:$0x3FA8] =	sst s2  }
0xb: {  	[smem:$0x3FA9] =	sst s3  }
0xc: {  	[smem:$0x3FAA] =	sst s4  }
0xd: {  	[smem:$0x3FAB] =	sst s5  }
0xe: {  	[smem:$0x3FAC] =	sst s6  }
0xf: {  	[smem:$0x3FAD] =	sst s7  }
0x10: {  	[smem:$0x3FAE] =	sst s8  }
0x11: {  	[smem:$0x3FAF] =	sst s9;
	s0 =	simm.s32 @!p0 $0x0  }
0x12: {  	s1 =	sld [smem:$0x3F95];
	s0 =	simm.s32 @p0 $0x1  }
0x13: {  	[smem:$0x3FB0] =	sst s0;
	s0 =	simm.s32 @!p1 $0x0  }
0x14: {  	s2 =	sld [smem:$0x3F94];
	s0 =	simm.s32 @p1 $0x1  }
0x15: {  	[smem:$0x3FB1] =	sst s0;
	s0 =	simm.s32 @!p2 $0x0  }
0x16: {  	s3 =	sld [smem:$0x3FDB];
	s0 =	simm.s32 @p2 $0x1  }
0x17: {  	s4 =	simm.s32 $0x1BF5;
	[smem:$0x3FB3] =	sst s0  }
0x18: {  	s0 =	sld [smem:$0x3F96];
	_ =	swait.ge [sflag:s4], $0x0  }
0x19: {  	s7 =	sld [smem:$0x3F97]  }
0x1a: {  	s8 =	sadd.s32 $0xFFFFE003, lr  }
0x1b: {  	s9 =	sadd.s32 $0xFFFFFEF7, lr;
	s5 =	simm.s32 $0xFFFFFFFF;
	p2 =	slt.u32 s8, $0xFFFFF086  }
0x1c: {  	p1 =	slt.u32 s9, $0xF7A;
	s5 =	simm.s32 @!p2 $0x0  }
0x1d: {  	s5 =	simm.s32 @p1 $0x1;
	p0 =	seq.s32 s7, s2  }
0x1e: {  	s7 =	smul.u32 @!p0 $0xF7A, s2;
	p2 =	seq.s32 @!p0 s5, $0x0  }
0x1f: {  	s9 =	smul.u32 $0xF7A, s1;
	s8 =	simm.s32 @!p0 $0x1BF5;
	p2 =	por !p2, p0  }
0x20: {  	[sflag:s8] =	ssyncset.s32 @!p0 $0xFFFFF086;
	s6 =	sadd.s32 @!p0 s3, s7;
	s7 =	simm.s32 @!p0 $0x108  }
0x21: {  	s3 =	sadd.s32 s3, s9;
	s6 =	sadd.s32 @!p0 $0x88, s6;
	s7 =	simm.s32 @p2 $0x1082  }
0x22: {  	[simem:s7], [sflag:s8] =	dma.local @!p0 [hbm:s6], $0xF7A  }
0x23: {  	s9 =	sor.u32 $0xD0000000, s2;
	s6 =	simm.s32 $0x108;
	_ =	swait.ge @!p0 [sflag:s8], $0x0  }
0x24: {  	s3 =	sadd.s32 $0x88, s3;
	s6 =	simm.s32 @!p1 $0x1082;
	[sflag:s4] =	ssyncset.s32 $0xFFFFF086  }
0x25: {  	[simem:s6], [sflag:s4] =	dma.local [hbm:s3], $0xF7A  }
0x26: {  	[smem:$0x3F97] =	sst s1;
	(tag) =	ssettag s2;
	_ =	strace s9  }
0x27: {  	s1 =	sld [smem:$0x3FA7]  }
0x28: {  	s2 =	sld [smem:$0x3FA8]  }
0x29: {  	s4 =	sld [smem:$0x3FAA]  }
0x2a: {  	p0 =	seq.s32 s5, $0x0;
	s5 =	sld [smem:$0x3FAB]  }
0x2b: {  	s6 =	sld [smem:$0x3FAC]  }
0x2c: {  	s7 =	sld [smem:$0x3FAD]  }
0x2d: {  	s3 =	simm.s32 $0x108;
	s8 =	sld [smem:$0x3FAE]  }
0x2e: {  	s3 =	simm.s32 @!p0 $0x1082;
	s9 =	sld [smem:$0x3FAF]  }
0x2f: {  	lr =	sadd.s32 s0, s3;
	s0 =	sld [smem:$0x3FA6]  }
0x30: {  	s3 =	sld [smem:$0x3FA9]  }
0x31: {  	[smem:$0x3FB2] =	sst s10  }
0x32: {  	s10 =	sld [smem:$0x3FB0];
	_ =	sdelay $0x3  }
0x33: {  	p0 =	seq.s32 s10, $0x1;
	s10 =	sld [smem:$0x3FB2];
	_ =	sdelay $0x3  }
0x34: {  	[smem:$0x3FB2] =	sst s10  }
0x35: {  	s10 =	sld [smem:$0x3FB1];
	_ =	sdelay $0x3  }
0x36: {  	p1 =	seq.s32 s10, $0x1;
	s10 =	sld [smem:$0x3FB2];
	_ =	sdelay $0x3  }
0x37: {  	[smem:$0x3FB2] =	sst s10  }
0x38: {  	s10 =	sld [smem:$0x3FB3]  }
0x39: {  	_ = 	snop;
	(pc) =	sbr.ind lr, $3  }
0x3a: {  	_ = 	snop  }
0x3b: {  	_ = 	snop  }
0x3c: {  	p2 =	seq.s32 s10, $0x1;
	s10 =	sld [smem:$0x3FB2]  }
0x3d: {  	_ =	shalt  }
0x3e: {  	_ =	shalt  }
0x3f: {  	_ =	shalt  }
0x40: {  	_ =	shalt  }
0x41: {  	_ =	shalt  }
0x42: {  	_ =	shalt  }
0x43: {  	_ =	shalt  }
0x44: {  	_ =	shalt  }
0x45: {  	_ =	shalt  }
0x46: {  	_ =	shalt  }
0x47: {  	_ =	shalt  }
0x48: {  	_ =	shalt  }
0x49: {  	_ =	shalt  }
0x4a: {  	_ =	shalt  }
0x4b: {  	_ =	shalt  }
0x4c: {  	_ =	shalt  }
0x4d: {  	_ =	shalt  }
0x4e: {  	_ =	shalt  }
0x4f: {  	_ =	shalt  }
0x50: {  	_ =	shalt  }
0x51: {  	_ =	shalt  }
0x52: {  	_ =	shalt  }
0x53: {  	_ =	shalt  }
0x54: {  	_ =	shalt  }
0x55: {  	_ =	shalt  }
0x56: {  	_ =	shalt  }
0x57: {  	_ =	shalt  }
0x58: {  	_ =	shalt  }
0x59: {  	_ =	shalt  }
0x5a: {  	_ =	shalt  }
0x5b: {  	_ =	shalt  }
0x5c: {  	_ =	shalt  }
0x5d: {  	_ =	shalt  }
0x5e: {  	_ =	shalt  }
0x5f: {  	_ =	shalt  }
0x60: {  	_ =	shalt  }
0x61: {  	_ =	shalt  }
0x62: {  	_ =	shalt  }
0x63: {  	_ =	shalt  }
0x64: {  	_ =	shalt  }
0x65: {  	_ =	shalt  }
0x66: {  	_ =	shalt  }
0x67: {  	_ =	shalt  }
0x68: {  	_ =	shalt  }
0x69: {  	_ =	shalt  }
0x6a: {  	_ =	shalt  }
0x6b: {  	_ =	shalt  }
0x6c: {  	_ =	shalt  }
0x6d: {  	_ =	shalt  }
0x6e: {  	_ =	shalt  }
0x6f: {  	_ =	shalt  }
0x70: {  	_ =	shalt  }
0x71: {  	_ =	shalt  }
0x72: {  	_ =	shalt  }
0x73: {  	_ =	shalt  }
0x74: {  	_ =	shalt  }
0x75: {  	_ =	shalt  }
0x76: {  	_ =	shalt  }
0x77: {  	_ =	shalt  }
0x78: {  	_ =	shalt  }
0x79: {  	_ =	shalt  }
0x7a: {  	_ =	shalt  }
0x7b: {  	_ =	shalt  }
0x7c: {  	_ =	shalt  }
0x7d: {  	_ =	shalt  }
0x7e: {  	_ =	shalt  }
0x7f: {  	_ =	shalt  }
0x80: {  	_ =	shalt  }
0x81: {  	_ =	shalt  }
0x82: {  	_ =	shalt  }
0x83: {  	_ =	shalt  }
0x84: {  	_ =	shalt  }
0x85: {  	_ =	shalt  }
0x86: {  	_ =	shalt  }
0x87: {  	_ =	shalt  }
.Lfunc_end0:
.L_simem_size_0:
called_computation_lowered:
.L_overlay_start_0:
0x88: {  	s2 =	sld [smem:$0x3FD9]  }
0x89: {  	s3 =	sld [smem:$0x3FFE];
	_ =	sdelay $0x1  }
0x8a: {  	s1 =	srdreg.scid  }
0x8b: {  	s0 =	sand.u32 $0x1, s1  }
0x8c: {  	s17 =	sshll.u32 s0, $0xA;
	s2 =	sadd.s32 s3, s2  }
0x8d: {  	s2 =	sadd.s32 s2, s17  }
0x8e: {  	[smem:$0x3FBE] =	sst s2  }
0x8f: {  	_ = 	snop  }
0x90: {  	s2 =	sld [smem:$0x3FC8]  }
0x91: {  	s18 =	sld [smem:$0x3FC1]  }
0x92: {  	s4 =	sld [smem:$0x3FD0];
	(tm) =	ssettm $0x1  }
0x93: {  	s5 =	sld [smem:$0x3FFB];
	_ =	sdelay $0x3  }
0x94: {  	_ =	strace s5  }
0x95: {  	s5 =	sld [smem:$0x3FFC];
	_ =	sdelay $0x3  }
0x96: {  	_ =	strace s5  }
0x97: {  	s5 =	sld [smem:$0x3FFD];
	_ =	sdelay $0x3  }
0x98: {  	_ =	strace s5  }
0x99: {  	_ =	strace $0x8FFFFFFF  }
0x9a: {  	s19 =	sld [smem:$0x3FDB];
	_ =	sdelay $0x1  }
0x9b: {  	s6 =	simm.s32 $_scs_section_size  }
0x9c: {  	s7 =	simm.s32 $_size__tile_overlayer_lowered;
	s8 =	simm.s32 $_tile_overlayer_lowered  }
0x9d: {  	s22 =	simm.s32 $0x1BFF;
	s21 =	sshll.u32 s8, $0x1;
	s5 =	sadd.s32 s6, s19  }
0x9e: {  	s9 =	simm.s32 $0x0;
	s20 =	sshll.u32 s7, $0x1;
	s7 =	sadd.s32 s21, s5  }
0x9f: {  	[timem:s9], [sflag:s22] =	dma.local [hbm:s7], s20  }
0xa0: {  	_ =	swait.ge [sflag:s22], s20  }
0xa1: {  	s6 =	ssub.s32 $0x0, s20;
	[sflag:s22] =	ssyncset.done $0x0  }
0xa2: {  	[sflag:s22] =	ssyncadd.s32 s6;
	_ =	sdelay $0x1  }
0xa3: {  	s23 =	simm.s32 $0x1B8B  }
0xa4: {  	_ =	swait.ge [sflag:s23], $0x1  }
0xa5: {  	[sflag:s23] =	ssyncset.done $0x0  }
0xa6: {  	s25 =	simm.s32 $0x1B8E;
	s24 =	sld [smem:$0x3FFE];
	[sflag:s23] =	ssyncadd.s32 $0xFFFFFFFF  }
0xa7: {  	s26 =	simm.s32 $execute0_lowered;
	[smem:$0x3FD2] =	sst s25  }
0xa8: {  	s7 =	sshll.u32 s26, $0x1;
	_ =	strace $0x80000046;
	[dreg:$0x1] =	wrdreg $0xFFFFFFFF  }
0xa9: {  	s28 =	simm.s32 $_size_execute0_lowered;
	s5 =	sadd.s32 s5, s7;
	[dreg:$0x0] =	wrdreg $0x0  }
0xaa: {  	s7 =	sshll.u32 s28, $0x1;
	[dreg:$0x2] =	wrdreg s5  }
0xab: {  	[dreg:$0x3] =	wrdreg s7  }
0xac: {  	[dreg:$0x4] =	wrdreg $0xC0  }
0xad: {  	_ =	task [dreg:s9], $0x5FFFF  }
0xae: {  	[dreg:$0x1] =	wrdreg $0xFFFFFFFF  }
0xaf: {  	[dreg:$0x0] =	wrdreg $0x60  }
0xb0: {  	[dreg:$0x2] =	wrdreg s24  }
0xb1: {  	[dreg:$0x3] =	wrdreg s2  }
0xb2: {  	[dreg:$0x4] =	wrdreg s18  }
0xb3: {  	[dreg:$0x5] =	wrdreg s4  }
0xb4: {  	[dreg:$0x6] =	wrdreg $0x9  }
0xb5: {  	_ =	task.clear_ibuf [dreg:s9], $0x7FFFF;
	_ =	strace $0x90000046  }
0xb6: {  	s29 =	simm.s32 $0x9;
	_ =	strace $0x80000048  }
0xb7: {  	_ =	swait.ge [sflag:s29], $0x1  }
0xb8: {  	[sflag:s29] =	ssyncadd.s32 $0xFFFFFFFF  }
0xb9: {  	_ =	strace $0x90000048  }
0xba: {  	_ =	sfence  }
0xbb: {  	s30 =	sld [smem:$0x0];
	_ =	sdelay $0x2  }
0xbc: {  	s31 =	sshll.u32 s1, $0xD;
	s1 =	sshrl.u32 s1, $0x2  }
0xbd: {  	s3 =	sand.u32 $0x4000, s31;
	s1 =	sadd.s32 s1, s30  }
0xbe: {  	s0 =	sor.u32 s3, s0;
	s1 =	sshll.u32 s1, $0x11  }
0xbf: {  	s0 =	sor.u32 s1, s0  }
0xc0: {  	s0 =	sadd.s32 $0x8F2B, s0  }
0xc1: {  	[sflag:s0] =	ssyncadd.remote.s32 $0x1  }
0xc2: {  	_ =	sfence.sel $0xFFFF  }
0xc3: {  	[dreg:$0x0] =	wrdreg $0xFFFFFFFF;
	(pc) =	sbr.abs _section_cstart, $3  }
0xc4: {  	[dreg:$0x1] =	wrdreg $0xFFFFFFFF  }
0xc5: {  	_ =	task.clear_ibuf [dreg:s9], $0x2FFFF;
	_ =	strace $0x9FFFFFFF  }
0xc6: {  	(tm) =	ssettm $0x7FFFFFFF  }
0xc7: {  	_ =	shalt  }
tec
execute0_lowered:
.L_overlay_start_1:
0x0: {  	(tag) =	ssettag $0x1  }
0x1: {  	s0 =	rddreg [dreg:$0x0]  }
0x2: {  	s7 =	rddreg [dreg:$0x3]  }
0x3: {  	s4 =	simm.s32 $0x0;
	s1 =	srdreg.scid;
	s3 =	stileid.u32  }
0x4: {  	s15 =	simm.s32 $0x1;
	s29 =	simm.s32 $0x10;
	s28 =	simm.s32 $0x58  }
0x5: {  	s30 =	simm.s32 $0x1EE8;
	s31 =	simm.s32 $0x36A0;
	s11 =	simm.s32 $0x78A0  }
0x6: {  	s12 =	simm.s32 $0x2048;
	[smem:$0x7FF] =	sst s4;
	s2 =	sadd.s32 $0x800, s0  }
0x7: {  	s5 =	sadd.s32 $0xA00, s0;
	_ =	strace $0x80000047;
	[dreg:$0x5] =	wrdreg s2  }
0x8: {  	s6 =	sadd.s32 $0x5200, s0;
	s20 =	sadd.s32 $0x1000, s0;
	[dreg:$0x6] =	wrdreg s5  }
0x9: {  	s1 =	sand.u32 $0x1, s1;
	s21 =	sadd.s32 $0xC00, s0;
	[dreg:$0x7] =	wrdreg s20  }
0xa: {  	s9 =	sadd.s32 $0x15200, s0;
	s22 =	sadd.s32 $0xE00, s0;
	[dreg:$0x8] =	wrdreg s21  }
0xb: {  	s13 =	sadd.s32 $0x1200, s0;
	s19 =	sshll.u32 s1, $0x4;
	[dreg:$0x9] =	wrdreg s22  }
0xc: {  	s5 =	simm.s32 $0x1;
	s2 =	sor.u32 s3, s19;
	s3 =	sand.u32 $0x3, s3  }
0xd: {  	s1 =	ssub.s32 $0x2, s1;
	p1 =	seq.s32 s2, $0x0;
	p0 =	sne.s32 s3, $0x0  }
0xe: {  	s23 =	sshrl.u32 s1, $0x1;
	s19 =	simm.s32 $0x8EA0;
	p1 =	por !p0, !p1  }
0xf: {  	s2 =	sshrl.u32 s2, $0x2;
	s0 =	ssub.s32 s1, s23;
	p1 =	por !p1, !p1  }
0x10: {  	s20 =	sshll.u32 s3, $0x9;
	s23 =	simm.s32 $0x20A0;
	s5 =	simm.s32 @!p1 $0x0  }
0x11: {  	s3 =	simm.s32 $0x0;
	s0 =	smax.u32 s0, $0x1;
	s2 =	ssub.s32 s2, s5  }
0x12: {  	[dreg:$0xf] =	wrdreg s0;
	s0 =	simm.s32 $0x1F40;
	s8 =	sshll.u32 s2, $0x6  }
0x13: {  	s5 =	simm.s32 $0x4CA0;
	s25 =	sor.u32 $0x10, s8;
	[dreg:$0xa] =	wrdreg s8  }
0x14: {  	s24 =	smul.u32 $0x420040, s2;
	s10 =	sor.u32 $0x20, s8;
	[dreg:$0xb] =	wrdreg s25  }
0x15: {  	s26 =	smul.u32 $0x10801, s2;
	s8 =	sor.u32 $0x30, s8;
	[dreg:$0xc] =	wrdreg s10  }
0x16: {  	v0 =	vlaneseq.u32;
	s22 =	sshll.u32 s2, $0x10;
	s2 =	simm.s32 $0x1A90;
	[dreg:$0xd] =	wrdreg s8  }
0x17: {  	v0 =	vmul.u32 $0x21, v0;
	s1 =	sshrl.u32 s24, $0x3;
	s21 =	sadd.s32 $0x1, s26;
	s24 =	simm.s32 $0x2  }
0x18: {  	s26 =	simm.s32 $0x1E90;
	s8 =	simm.s32 $0x62A0;
	s1 =	sadd.s32 s7, s1  }
0x19: {  	v2 =	vimm.s32 $0x2000;
	v1 =	vadd.s32 $0x20, v0;
	s10 =	simm.s32 $0x1FF0;
	s7 =	simm.s32 $0x1F98;
	[dreg:$0xe] =	wrdreg s1  }
.LBB2_1:
0x1a: {  	[dreg:$0x10] =	wrdreg s3  }
0x1b: {  	s1 =	rddreg [dreg:$0x1]  }
0x1c: {  	[tilespmem:s4], [sflag:$0x2] =	stream.linear.gather [hbm4b:s1+s4], $0x20, $0x38;
	[tilespmem:$0xA4A0] =	vst v63  }
0x1d: {  	_ =	swait.ge [sflag:s24], $0x20  }
0x1e: {  	[sflag:s24] =	ssyncset.done $0x0  }
0x1f: {  	s3 =	simm.s32 $0x20;
	s18 =	rddreg [dreg:$0x6];
	[sflag:s24] =	ssyncadd.s32 $0xFFFFFFE0  }
0x20: {  	[tilespmem:s3], [sflag:$0x2] =	stream.linear.gather [hbm4b:s18+s4], $0x10, $0x38;
	[tilespmem:$0xA4A0] =	vst v63  }
0x21: {  	_ =	swait.ge [sflag:s24], $0x10  }
0x22: {  	[sflag:s24] =	ssyncset.done $0x0  }
0x23: {  	s14 =	simm.s32 $0x30;
	s25 =	rddreg [dreg:$0x5];
	[sflag:s24] =	ssyncadd.s32 $0xFFFFFFF0  }
0x24: {  	[tilespmem:s14], [sflag:$0x2] =	stream.linear.gather [hbm4b:s25+s4], $0x10, $0x38;
	[tilespmem:$0xA4A0] =	vst v63  }
0x25: {  	_ =	swait.ge [sflag:s24], $0x10  }
0x26: {  	[sflag:s24] =	ssyncset.done $0x0  }
0x27: {  	[sflag:s24] =	ssyncadd.s32 $0xFFFFFFF0  }
0x28: {  	s17 =	simm.s32 $0x1850;
	s16 =	rddreg [dreg:$0x2]  }
0x29: {  	[tilespmem:s17], [sflag:$0x2] =	stream.linear.gather [hbm4b:s16+s4], $0x40, $0x38;
	[tilespmem:$0xA4A0] =	vst v63  }
0x2a: {  	_ =	swait.ge [sflag:s24], $0x40  }
0x2b: {  	[sflag:s24] =	ssyncset.done $0x0  }
0x2c: {  	s25 =	simm.s32 $0x50;
	s18 =	rddreg [dreg:$0x9];
	[sflag:s24] =	ssyncadd.s32 $0xFFFFFFC0  }
0x2d: {  	[tilespmem:s25], [sflag:$0x1] =	stream.indirect.gather [hbm4b:s18+s29], $0x40, s3, s29, $0xb8;
	[tilespmem:$0xA4A0] =	vst v63  }
0x2e: {  	_ =	swait.ge [sflag:s15], $0x400  }
0x2f: {  	[sflag:s15] =	ssyncset.done $0x0  }
0x30: {  	[sflag:s15] =	ssyncadd.s32 $0xFFFFFC00  }
0x31: {  	v3 =	vld [tilespmem:$0x30];
	_ =	sdelay $0x4  }
0x32: {  	vm0 =	vgt.s32 v3, $0x0  }
0x33: {  	v3 =	vnsel vm0, $0x28, v3  }
0x34: {  	s17 =	simm.s32 $0x40;
	s16 =	simm.s32 $0x450;
	s14 =	rddreg [dreg:$0x7];
	[tilespmem:$0x40] =	vst v3  }
0x35: {  	[tilespmem:s16], [sflag:$0x1] =	stream.indirect.gather [hbm4b:s14+s29], $0x40, s17, s29, $0xb8;
	[tilespmem:$0xA4A0] =	vst v63  }
0x36: {  	_ =	swait.ge [sflag:s15], $0x400  }
0x37: {  	[sflag:s15] =	ssyncset.done $0x0  }
0x38: {  	s25 =	simm.s32 $0x850;
	s18 =	rddreg [dreg:$0x8];
	[sflag:s15] =	ssyncadd.s32 $0xFFFFFC00  }
0x39: {  	[tilespmem:s25], [sflag:$0x1] =	stream.indirect.gather [hbm4b:s18+s3], $0x40, s4, s3, $0xb8;
	[tilespmem:$0xA4A0] =	vst v63  }
0x3a: {  	_ =	swait.ge [sflag:s15], $0x800  }
0x3b: {  	[sflag:s15] =	ssyncset.done $0x0  }
0x3c: {  	s16 =	rddreg [dreg:$0xa];
	[sflag:s15] =	ssyncadd.s32 $0xFFFFF800  }
0x3d: {  	v3 =	vld [tilespmem:s16+$0x50]  }
0x3e: {  	v4 =	vld [tilespmem:s16+$0x450];
	_ =	sdelay $0x1  }
0x3f: {  	v5 =	vld [tilespmem:$0x850]  }
0x40: {  	v6 =	vld [tilespmem:$0x890]  }
0x41: {  	v7 =	vld [tilespmem:$0x8D0]  }
0x42: {  	v39 =	vld [tilespmem:$0x910];
	v3 =	vadd.f32 v4, v3  }
0x43: {  	v8 =	vld [tilespmem:$0x950]  }
0x44: {  	v9 =	vld [tilespmem:$0x990];
	v5 =	vadd.f32 v3, v5  }
0x45: {  	v10 =	vld [tilespmem:$0x9D0];
	v6 =	vadd.f32 v6, v3  }
0x46: {  	v41 =	vld [tilespmem:$0xA10];
	v40 =	vadd.f32 v7, v3;
	[tilespmem:$0x1050] =	vst v5  }
0x47: {  	v42 =	vld [tilespmem:$0xA50];
	v4 =	vadd.f32 v39, v3;
	[tilespmem:$0x1090] =	vst v6  }
0x48: {  	v44 =	vld [tilespmem:$0xA90];
	v43 =	vadd.f32 v8, v3;
	[tilespmem:$0x10D0] =	vst v40  }
0x49: {  	v46 =	vld [tilespmem:$0xAD0];
	v45 =	vadd.f32 v9, v3;
	[tilespmem:$0x1110] =	vst v4  }
0x4a: {  	v48 =	vld [tilespmem:$0xB10];
	v47 =	vadd.f32 v10, v3;
	[tilespmem:$0x1150] =	vst v43  }
0x4b: {  	v50 =	vld [tilespmem:$0xB50];
	v49 =	vadd.f32 v41, v3;
	[tilespmem:$0x1190] =	vst v45  }
0x4c: {  	v52 =	vld [tilespmem:$0xB90];
	v51 =	vadd.f32 v42, v3;
	[tilespmem:$0x11D0] =	vst v47  }
0x4d: {  	v54 =	vld [tilespmem:$0xBD0];
	v53 =	vadd.f32 v44, v3;
	[tilespmem:$0x1210] =	vst v49  }
0x4e: {  	v56 =	vld [tilespmem:$0xC10];
	v55 =	vadd.f32 v46, v3;
	[tilespmem:$0x1250] =	vst v51  }
0x4f: {  	v58 =	vld [tilespmem:$0xC50];
	v57 =	vadd.f32 v48, v3;
	[tilespmem:$0x1290] =	vst v53  }
0x50: {  	v60 =	vld [tilespmem:$0xC90];
	v59 =	vadd.f32 v50, v3;
	[tilespmem:$0x12D0] =	vst v55  }
0x51: {  	v62 =	vld [tilespmem:$0xCD0];
	v61 =	vadd.f32 v52, v3;
	[tilespmem:$0x1310] =	vst v57  }
0x52: {  	v12 =	vld [tilespmem:$0xD10];
	v63 =	vadd.f32 v54, v3;
	[tilespmem:$0x1350] =	vst v59  }
0x53: {  	v14 =	vld [tilespmem:$0xD50];
	v13 =	vadd.f32 v56, v3;
	[tilespmem:$0x1390] =	vst v61  }
0x54: {  	v16 =	vld [tilespmem:$0xD90];
	v15 =	vadd.f32 v58, v3;
	[tilespmem:$0x13D0] =	vst v63  }
0x55: {  	v18 =	vld [tilespmem:$0xDD0];
	v17 =	vadd.f32 v60, v3;
	[tilespmem:$0x1410] =	vst v13  }
0x56: {  	v20 =	vld [tilespmem:$0xE10];
	v19 =	vadd.f32 v62, v3;
	[tilespmem:$0x1450] =	vst v15  }
0x57: {  	v22 =	vld [tilespmem:$0xE50];
	v21 =	vadd.f32 v12, v3;
	[tilespmem:$0x1490] =	vst v17  }
0x58: {  	v24 =	vld [tilespmem:$0xE90];
	v23 =	vadd.f32 v14, v3;
	[tilespmem:$0x14D0] =	vst v19  }
0x59: {  	v26 =	vld [tilespmem:$0xED0];
	v25 =	vadd.f32 v16, v3;
	[tilespmem:$0x1510] =	vst v21  }
0x5a: {  	v28 =	vld [tilespmem:$0xF10];
	v27 =	vadd.f32 v18, v3;
	[tilespmem:$0x1550] =	vst v23  }
0x5b: {  	v30 =	vld [tilespmem:$0xF50];
	v29 =	vadd.f32 v20, v3;
	[tilespmem:$0x1590] =	vst v25  }
0x5c: {  	v32 =	vld [tilespmem:$0xF90];
	v31 =	vadd.f32 v22, v3;
	[tilespmem:$0x15D0] =	vst v27  }
0x5d: {  	v34 =	vld [tilespmem:$0xFD0];
	v33 =	vadd.f32 v24, v3;
	[tilespmem:$0x1610] =	vst v29  }
0x5e: {  	v36 =	vld [tilespmem:$0x1010];
	v35 =	vadd.f32 v26, v3;
	[tilespmem:$0x1650] =	vst v31  }
0x5f: {  	v37 =	vadd.f32 v28, v3;
	[tilespmem:$0x1690] =	vst v33  }
0x60: {  	v38 =	vadd.f32 v30, v3;
	[tilespmem:$0x16D0] =	vst v35  }
0x61: {  	v39 =	vadd.f32 v32, v3;
	[tilespmem:$0x1710] =	vst v37  }
0x62: {  	[tilespmem:$0x1750] =	vst v38;
	v40 =	vadd.f32 v34, v3  }
0x63: {  	[tilespmem:$0x1790] =	vst v39;
	v3 =	vadd.f32 v36, v3  }
0x64: {  	[tilespmem:$0x17D0] =	vst v40  }
0x65: {  	s17 =	rddreg [dreg:$0xb];
	[tilespmem:$0x1810] =	vst v3  }
0x66: {  	v3 =	vld [tilespmem:s17+$0x50]  }
0x67: {  	v4 =	vld [tilespmem:s17+$0x450];
	_ =	sdelay $0x1  }
0x68: {  	v41 =	vld [tilespmem:$0x860]  }
0x69: {  	v42 =	vld [tilespmem:$0x8A0]  }
0x6a: {  	v43 =	vld [tilespmem:$0x8E0]  }
0x6b: {  	v44 =	vld [tilespmem:$0x920];
	v3 =	vadd.f32 v4, v3  }
0x6c: {  	v45 =	vld [tilespmem:$0x960]  }
0x6d: {  	v46 =	vld [tilespmem:$0x9A0];
	v5 =	vadd.f32 v3, v41  }
0x6e: {  	v47 =	vld [tilespmem:$0x9E0];
	v6 =	vadd.f32 v42, v3  }
0x6f: {  	v49 =	vld [tilespmem:$0xA20];
	v48 =	vadd.f32 v43, v3;
	[tilespmem:$0x1060] =	vst v5  }
0x70: {  	v50 =	vld [tilespmem:$0xA60];
	v4 =	vadd.f32 v44, v3;
	[tilespmem:$0x10A0] =	vst v6  }
0x71: {  	v52 =	vld [tilespmem:$0xAA0];
	v51 =	vadd.f32 v45, v3;
	[tilespmem:$0x10E0] =	vst v48  }
0x72: {  	v54 =	vld [tilespmem:$0xAE0];
	v53 =	vadd.f32 v46, v3;
	[tilespmem:$0x1120] =	vst v4  }
0x73: {  	v56 =	vld [tilespmem:$0xB20];
	v55 =	vadd.f32 v47, v3;
	[tilespmem:$0x1160] =	vst v51  }
0x74: {  	v58 =	vld [tilespmem:$0xB60];
	v57 =	vadd.f32 v49, v3;
	[tilespmem:$0x11A0] =	vst v53  }
0x75: {  	v60 =	vld [tilespmem:$0xBA0];
	v59 =	vadd.f32 v50, v3;
	[tilespmem:$0x11E0] =	vst v55  }
0x76: {  	v62 =	vld [tilespmem:$0xBE0];
	v61 =	vadd.f32 v52, v3;
	[tilespmem:$0x1220] =	vst v57  }
0x77: {  	v12 =	vld [tilespmem:$0xC20];
	v63 =	vadd.f32 v54, v3;
	[tilespmem:$0x1260] =	vst v59  }
0x78: {  	v14 =	vld [tilespmem:$0xC60];
	v13 =	vadd.f32 v56, v3;
	[tilespmem:$0x12A0] =	vst v61  }
0x79: {  	v16 =	vld [tilespmem:$0xCA0];
	v15 =	vadd.f32 v58, v3;
	[tilespmem:$0x12E0] =	vst v63  }
0x7a: {  	v18 =	vld [tilespmem:$0xCE0];
	v17 =	vadd.f32 v60, v3;
	[tilespmem:$0x1320] =	vst v13  }
0x7b: {  	v20 =	vld [tilespmem:$0xD20];
	v19 =	vadd.f32 v62, v3;
	[tilespmem:$0x1360] =	vst v15  }
0x7c: {  	v22 =	vld [tilespmem:$0xD60];
	v21 =	vadd.f32 v12, v3;
	[tilespmem:$0x13A0] =	vst v17  }
0x7d: {  	v24 =	vld [tilespmem:$0xDA0];
	v23 =	vadd.f32 v14, v3;
	[tilespmem:$0x13E0] =	vst v19  }
0x7e: {  	v26 =	vld [tilespmem:$0xDE0];
	v25 =	vadd.f32 v16, v3;
	[tilespmem:$0x1420] =	vst v21  }
0x7f: {  	v28 =	vld [tilespmem:$0xE20];
	v27 =	vadd.f32 v18, v3;
	[tilespmem:$0x1460] =	vst v23  }
0x80: {  	v30 =	vld [tilespmem:$0xE60];
	v29 =	vadd.f32 v20, v3;
	[tilespmem:$0x14A0] =	vst v25  }
0x81: {  	v32 =	vld [tilespmem:$0xEA0];
	v31 =	vadd.f32 v22, v3;
	[tilespmem:$0x14E0] =	vst v27  }
0x82: {  	v34 =	vld [tilespmem:$0xEE0];
	v33 =	vadd.f32 v24, v3;
	[tilespmem:$0x1520] =	vst v29  }
0x83: {  	v36 =	vld [tilespmem:$0xF20];
	v35 =	vadd.f32 v26, v3;
	[tilespmem:$0x1560] =	vst v31  }
0x84: {  	v38 =	vld [tilespmem:$0xF60];
	v37 =	vadd.f32 v28, v3;
	[tilespmem:$0x15A0] =	vst v33  }
0x85: {  	v40 =	vld [tilespmem:$0xFA0];
	v39 =	vadd.f32 v30, v3;
	[tilespmem:$0x15E0] =	vst v35  }
0x86: {  	v41 =	vadd.f32 v32, v3;
	v42 =	vld [tilespmem:$0xFE0];
	[tilespmem:$0x1620] =	vst v37  }
0x87: {  	v43 =	vadd.f32 v34, v3;
	v44 =	vld [tilespmem:$0x1020];
	[tilespmem:$0x1660] =	vst v39  }
0x88: {  	v45 =	vadd.f32 v36, v3;
	[tilespmem:$0x16A0] =	vst v41  }
0x89: {  	v46 =	vadd.f32 v38, v3;
	[tilespmem:$0x16E0] =	vst v43  }
0x8a: {  	v47 =	vadd.f32 v40, v3;
	[tilespmem:$0x1720] =	vst v45  }
0x8b: {  	[tilespmem:$0x1760] =	vst v46;
	v48 =	vadd.f32 v42, v3  }
0x8c: {  	[tilespmem:$0x17A0] =	vst v47;
	v3 =	vadd.f32 v44, v3  }
0x8d: {  	[tilespmem:$0x17E0] =	vst v48  }
0x8e: {  	s18 =	rddreg [dreg:$0xc];
	[tilespmem:$0x1820] =	vst v3  }
0x8f: {  	v3 =	vld [tilespmem:s18+$0x50]  }
0x90: {  	v4 =	vld [tilespmem:s18+$0x450];
	_ =	sdelay $0x1  }
0x91: {  	v49 =	vld [tilespmem:$0x870]  }
0x92: {  	v50 =	vld [tilespmem:$0x8B0]  }
0x93: {  	v51 =	vld [tilespmem:$0x8F0]  }
0x94: {  	v52 =	vld [tilespmem:$0x930];
	v3 =	vadd.f32 v4, v3  }
0x95: {  	v53 =	vld [tilespmem:$0x970]  }
0x96: {  	v54 =	vld [tilespmem:$0x9B0];
	v5 =	vadd.f32 v3, v49  }
0x97: {  	v55 =	vld [tilespmem:$0x9F0];
	v6 =	vadd.f32 v50, v3  }
0x98: {  	v57 =	vld [tilespmem:$0xA30];
	v56 =	vadd.f32 v51, v3;
	[tilespmem:$0x1070] =	vst v5  }
0x99: {  	v58 =	vld [tilespmem:$0xA70];
	v4 =	vadd.f32 v52, v3;
	[tilespmem:$0x10B0] =	vst v6  }
0x9a: {  	v60 =	vld [tilespmem:$0xAB0];
	v59 =	vadd.f32 v53, v3;
	[tilespmem:$0x10F0] =	vst v56  }
0x9b: {  	v62 =	vld [tilespmem:$0xAF0];
	v61 =	vadd.f32 v54, v3;
	[tilespmem:$0x1130] =	vst v4  }
0x9c: {  	v12 =	vld [tilespmem:$0xB30];
	v63 =	vadd.f32 v55, v3;
	[tilespmem:$0x1170] =	vst v59  }
0x9d: {  	v14 =	vld [tilespmem:$0xB70];
	v13 =	vadd.f32 v57, v3;
	[tilespmem:$0x11B0] =	vst v61  }
0x9e: {  	v16 =	vld [tilespmem:$0xBB0];
	v15 =	vadd.f32 v58, v3;
	[tilespmem:$0x11F0] =	vst v63  }
0x9f: {  	v18 =	vld [tilespmem:$0xBF0];
	v17 =	vadd.f32 v60, v3;
	[tilespmem:$0x1230] =	vst v13  }
0xa0: {  	v20 =	vld [tilespmem:$0xC30];
	v19 =	vadd.f32 v62, v3;
	[tilespmem:$0x1270] =	vst v15  }
0xa1: {  	v22 =	vld [tilespmem:$0xC70];
	v21 =	vadd.f32 v12, v3;
	[tilespmem:$0x12B0] =	vst v17  }
0xa2: {  	v24 =	vld [tilespmem:$0xCB0];
	v23 =	vadd.f32 v14, v3;
	[tilespmem:$0x12F0] =	vst v19  }
0xa3: {  	v26 =	vld [tilespmem:$0xCF0];
	v25 =	vadd.f32 v16, v3;
	[tilespmem:$0x1330] =	vst v21  }
0xa4: {  	v28 =	vld [tilespmem:$0xD30];
	v27 =	vadd.f32 v18, v3;
	[tilespmem:$0x1370] =	vst v23  }
0xa5: {  	v30 =	vld [tilespmem:$0xD70];
	v29 =	vadd.f32 v20, v3;
	[tilespmem:$0x13B0] =	vst v25  }
0xa6: {  	v32 =	vld [tilespmem:$0xDB0];
	v31 =	vadd.f32 v22, v3;
	[tilespmem:$0x13F0] =	vst v27  }
0xa7: {  	v34 =	vld [tilespmem:$0xDF0];
	v33 =	vadd.f32 v24, v3;
	[tilespmem:$0x1430] =	vst v29  }
0xa8: {  	v36 =	vld [tilespmem:$0xE30];
	v35 =	vadd.f32 v26, v3;
	[tilespmem:$0x1470] =	vst v31  }
0xa9: {  	v38 =	vld [tilespmem:$0xE70];
	v37 =	vadd.f32 v28, v3;
	[tilespmem:$0x14B0] =	vst v33  }
0xaa: {  	v40 =	vld [tilespmem:$0xEB0];
	v39 =	vadd.f32 v30, v3;
	[tilespmem:$0x14F0] =	vst v35  }
0xab: {  	v42 =	vld [tilespmem:$0xEF0];
	v41 =	vadd.f32 v32, v3;
	[tilespmem:$0x1530] =	vst v37  }
0xac: {  	v44 =	vld [tilespmem:$0xF30];
	v43 =	vadd.f32 v34, v3;
	[tilespmem:$0x1570] =	vst v39  }
0xad: {  	v46 =	vld [tilespmem:$0xF70];
	v45 =	vadd.f32 v36, v3;
	[tilespmem:$0x15B0] =	vst v41  }
0xae: {  	v48 =	vld [tilespmem:$0xFB0];
	v47 =	vadd.f32 v38, v3;
	[tilespmem:$0x15F0] =	vst v43  }
0xaf: {  	v49 =	vadd.f32 v40, v3;
	v50 =	vld [tilespmem:$0xFF0];
	[tilespmem:$0x1630] =	vst v45  }
0xb0: {  	v51 =	vadd.f32 v42, v3;
	v52 =	vld [tilespmem:$0x1030];
	[tilespmem:$0x1670] =	vst v47  }
0xb1: {  	v53 =	vadd.f32 v44, v3;
	[tilespmem:$0x16B0] =	vst v49  }
0xb2: {  	v54 =	vadd.f32 v46, v3;
	[tilespmem:$0x16F0] =	vst v51  }
0xb3: {  	v55 =	vadd.f32 v48, v3;
	[tilespmem:$0x1730] =	vst v53  }
0xb4: {  	[tilespmem:$0x1770] =	vst v54;
	v56 =	vadd.f32 v50, v3  }
0xb5: {  	[tilespmem:$0x17B0] =	vst v55;
	v3 =	vadd.f32 v52, v3  }
0xb6: {  	[tilespmem:$0x17F0] =	vst v56  }
0xb7: {  	s25 =	rddreg [dreg:$0xd];
	[tilespmem:$0x1830] =	vst v3  }
0xb8: {  	v3 =	vld [tilespmem:s25+$0x50]  }
0xb9: {  	v4 =	vld [tilespmem:s25+$0x450];
	_ =	sdelay $0x1  }
0xba: {  	v57 =	vld [tilespmem:$0x880]  }
0xbb: {  	v58 =	vld [tilespmem:$0x8C0]  }
0xbc: {  	v59 =	vld [tilespmem:$0x900]  }
0xbd: {  	v60 =	vld [tilespmem:$0x940];
	v3 =	vadd.f32 v4, v3  }
0xbe: {  	v61 =	vld [tilespmem:$0x980]  }
0xbf: {  	v62 =	vld [tilespmem:$0x9C0];
	v5 =	vadd.f32 v3, v57  }
0xc0: {  	v63 =	vld [tilespmem:$0xA00];
	v6 =	vadd.f32 v58, v3  }
0xc1: {  	v12 =	vld [tilespmem:$0xA40];
	v11 =	vadd.f32 v59, v3;
	[tilespmem:$0x1080] =	vst v5  }
0xc2: {  	v13 =	vld [tilespmem:$0xA80];
	v4 =	vadd.f32 v60, v3;
	[tilespmem:$0x10C0] =	vst v6  }
0xc3: {  	v15 =	vld [tilespmem:$0xAC0];
	v14 =	vadd.f32 v61, v3;
	[tilespmem:$0x1100] =	vst v11  }
0xc4: {  	v17 =	vld [tilespmem:$0xB00];
	v16 =	vadd.f32 v62, v3;
	[tilespmem:$0x1140] =	vst v4  }
0xc5: {  	v19 =	vld [tilespmem:$0xB40];
	v18 =	vadd.f32 v63, v3;
	[tilespmem:$0x1180] =	vst v14  }
0xc6: {  	v21 =	vld [tilespmem:$0xB80];
	v20 =	vadd.f32 v12, v3;
	[tilespmem:$0x11C0] =	vst v16  }
0xc7: {  	v23 =	vld [tilespmem:$0xBC0];
	v22 =	vadd.f32 v13, v3;
	[tilespmem:$0x1200] =	vst v18  }
0xc8: {  	v25 =	vld [tilespmem:$0xC00];
	v24 =	vadd.f32 v15, v3;
	[tilespmem:$0x1240] =	vst v20  }
0xc9: {  	v27 =	vld [tilespmem:$0xC40];
	v26 =	vadd.f32 v17, v3;
	[tilespmem:$0x1280] =	vst v22  }
0xca: {  	v29 =	vld [tilespmem:$0xC80];
	v28 =	vadd.f32 v19, v3;
	[tilespmem:$0x12C0] =	vst v24  }
0xcb: {  	v31 =	vld [tilespmem:$0xCC0];
	v30 =	vadd.f32 v21, v3;
	[tilespmem:$0x1300] =	vst v26  }
0xcc: {  	v33 =	vld [tilespmem:$0xD00];
	v32 =	vadd.f32 v23, v3;
	[tilespmem:$0x1340] =	vst v28  }
0xcd: {  	v35 =	vld [tilespmem:$0xD40];
	v34 =	vadd.f32 v25, v3;
	[tilespmem:$0x1380] =	vst v30  }
0xce: {  	v37 =	vld [tilespmem:$0xD80];
	v36 =	vadd.f32 v27, v3;
	[tilespmem:$0x13C0] =	vst v32  }
0xcf: {  	v39 =	vld [tilespmem:$0xDC0];
	v38 =	vadd.f32 v29, v3;
	[tilespmem:$0x1400] =	vst v34  }
0xd0: {  	v41 =	vld [tilespmem:$0xE00];
	v40 =	vadd.f32 v31, v3;
	[tilespmem:$0x1440] =	vst v36  }
0xd1: {  	v43 =	vld [tilespmem:$0xE40];
	v42 =	vadd.f32 v33, v3;
	[tilespmem:$0x1480] =	vst v38  }
0xd2: {  	v45 =	vld [tilespmem:$0xE80];
	v44 =	vadd.f32 v35, v3;
	[tilespmem:$0x14C0] =	vst v40  }
0xd3: {  	v47 =	vld [tilespmem:$0xEC0];
	v46 =	vadd.f32 v37, v3;
	[tilespmem:$0x1500] =	vst v42  }
0xd4: {  	v49 =	vld [tilespmem:$0xF00];
	v48 =	vadd.f32 v39, v3;
	[tilespmem:$0x1540] =	vst v44  }
0xd5: {  	v51 =	vld [tilespmem:$0xF40];
	v50 =	vadd.f32 v41, v3;
	[tilespmem:$0x1580] =	vst v46  }
0xd6: {  	v53 =	vld [tilespmem:$0xF80];
	v52 =	vadd.f32 v43, v3;
	[tilespmem:$0x15C0] =	vst v48  }
0xd7: {  	v55 =	vld [tilespmem:$0xFC0];
	v54 =	vadd.f32 v45, v3;
	[tilespmem:$0x1600] =	vst v50  }
0xd8: {  	v56 =	vadd.f32 v47, v3;
	v57 =	vld [tilespmem:$0x1000];
	[tilespmem:$0x1640] =	vst v52  }
0xd9: {  	v58 =	vadd.f32 v49, v3;
	v59 =	vld [tilespmem:$0x1040];
	[tilespmem:$0x1680] =	vst v54  }
0xda: {  	v60 =	vadd.f32 v51, v3;
	[tilespmem:$0x16C0] =	vst v56  }
0xdb: {  	v61 =	vadd.f32 v53, v3;
	[tilespmem:$0x1700] =	vst v58  }
0xdc: {  	v62 =	vadd.f32 v55, v3;
	[tilespmem:$0x1740] =	vst v60  }
0xdd: {  	[tilespmem:$0x1780] =	vst v61;
	v63 =	vadd.f32 v57, v3  }
0xde: {  	[tilespmem:$0x17C0] =	vst v62;
	v3 =	vadd.f32 v59, v3  }
0xdf: {  	[tilespmem:$0x1800] =	vst v63  }
0xe0: {  	s14 =	simm.s32 @!p0 $0x1850;
	s3 =	simm.s32 @!p0 $0x0;
	s1 =	rddreg [dreg:$0xe];
	[tilespmem:$0x1840] =	vst v3  }
0xe1: {  	[hbm4b:s1+s3] =	stream.linear.scatter @!p0 [tilespmem:s14], [sflag:$0x2], $0x40, $0x38;
	[tilespmem:$0xA4A0] =	vst v63  }
0xe2: {  	s3 =	simm.s32 @!p0 $0x2  }
0xe3: {  	_ =	swait.ge @!p0 [sflag:s3], $0x40  }
0xe4: {  	[sflag:s3] =	ssyncset.done @!p0 $0x0  }
0xe5: {  	s16 =	simm.s32 $0x0;
	[sflag:s3] =	ssyncadd.s32 @!p0 $0xFFFFFFC0  }
.LBB2_2:
0xe6: {  	s3 =	sshll.u32 s16, $0x4  }
0xe7: {  	s17 =	sadd.s32 s20, s3  }
0xe8: {  	s3 =	sadd.s32 s22, s17  }
0xe9: {  	s3 =	sshrl.u32 s3, $0x3  }
0xea: {  	s14 =	simm.s32 $0x1890;
	s1 =	simm.s32 $0x800;
	s3 =	sadd.s32 s6, s3  }
0xeb: {  	[tilespmem:s14], [sflag:$0x2] =	stream.strided.gather [hbm4b:s3+s29], $0x200, s1, s29, $0x38;
	[tilespmem:$0xA4A0] =	vst v63  }
0xec: {  	_ =	swait.ge [sflag:s24], $0x200  }
0xed: {  	s25 =	sshll.u32 s17, $0x3;
	[sflag:s24] =	ssyncset.done $0x0  }
0xee: {  	s18 =	sadd.s32 s13, s25;
	s3 =	simm.s32 $0x0;
	[sflag:s24] =	ssyncadd.s32 $0xFFFFFE00  }
0xef: {  	[tilespmem:s2], [sflag:$0x2] =	stream.linear.gather [hbm4b:s18+s3], $0x400, $0x38;
	[tilespmem:$0xA4A0] =	vst v63  }
0xf0: {  	_ =	swait.ge [sflag:s24], $0x400  }
0xf1: {  	[sflag:s24] =	ssyncset.done $0x0  }
0xf2: {  	[sflag:s24] =	ssyncadd.s32 $0xFFFFFC00  }
0xf3: {  	v3 =	vld [tilespmem:s14+$0x0]  }
0xf4: {  	v4 =	vadd.s32 s3, v0;
	_ =	sdelay $0x3  }
0xf5: {  	v3 =	vadd.s32 s3, v3  }
0xf6: {  	s14 =	simm.s32 $0x18A0;
	[tilespmem:v4+s26+$0x0] =	vst.idx.msk $0xffff, v3  }
0xf7: {  	s25 =	simm.s32 $0x2;
	s18 =	simm.s32 $0x1;
	v3 =	vld [tilespmem:s14+$0x0]  }
.LBB2_3:
0xf8: {  	p1 =	sne.s32 s25, $0x1F;
	v4 =	vadd.s32 s18, v0;
	s18 =	smov.u32 s25;
	_ =	sdelay $0x1  }
.Ltmp0:
0xf9: {  	(pc) =	sbr.rel @p1 .LBB2_3-.Ltmp0, $4  }
0xfa: {  	s3 =	sadd.s32 $0x100, s3  }
0xfb: {  	v3 =	vadd.s32 s3, v3  }
0xfc: {  	s14 =	sadd.s32 $0x10, s14;
	[tilespmem:v4+s26+$0x0] =	vst.idx.msk $0xffff, v3  }
0xfd: {  	s25 =	sadd.s32 $0x1, s25;
	v3 =	vld [tilespmem:s14+$0x0]  }
0xfe: {  	v4 =	vadd.s32 s18, v0;
	_ =	sdelay $0x2  }
0xff: {  	s3 =	sadd.s32 $0x100, s3  }
0x100: {  	v3 =	vadd.s32 s3, v3  }
0x101: {  	[tilespmem:v4+s26+$0x0] =	vst.idx.msk $0xffff, v3  }
0x102: {  	s18 =	simm.s32 $0x20A0;
	[tilespmem:v1+s26+$0x0] =	vst.idx.msk $0xffff, v2  }
0x103: {  	[tilespmem:s18], [sflag:$0x1] =	stream.indirect.gather [hbm4b:s9+s28], $0x40, s26, s28, $0xb8;
	[tilespmem:$0xA4A0] =	vst v63  }
0x104: {  	_ = 	snop  }
0x105: {  	[tilespmem:s31], [sflag:$0x1] =	stream.indirect.gather [hbm4b:s9+s28], $0x40, s30, s28, $0xb8;
	[tilespmem:$0xA4A0] =	vst v63  }
0x106: {  	_ = 	snop  }
0x107: {  	[tilespmem:s5], [sflag:$0x1] =	stream.indirect.gather [hbm4b:s9+s28], $0x40, s0, s28, $0xb8;
	[tilespmem:$0xA4A0] =	vst v63  }
0x108: {  	_ = 	snop  }
0x109: {  	[tilespmem:s8], [sflag:$0x1] =	stream.indirect.gather [hbm4b:s9+s28], $0x40, s7, s28, $0xb8;
	[tilespmem:$0xA4A0] =	vst v63  }
0x10a: {  	_ = 	snop  }
0x10b: {  	[tilespmem:s11], [sflag:$0x1] =	stream.indirect.gather [hbm4b:s9+s28], $0x40, s10, s28, $0xb8;
	[tilespmem:$0xA4A0] =	vst v63  }
0x10c: {  	_ = 	snop  }
0x10d: {  	[tilespmem:s19], [sflag:$0x1] =	stream.indirect.gather [hbm4b:s9+s28], $0x40, s12, s28, $0xb8;
	[tilespmem:$0xA4A0] =	vst v63  }
0x10e: {  	_ =	swait.ge [sflag:s15], $0x1600  }
0x10f: {  	[sflag:s15] =	ssyncset.done $0x0  }
0x110: {  	[sflag:s15] =	ssyncadd.s32 $0xFFFFEA00  }
0x111: {  	_ =	swait.ge [sflag:s15], $0x1600  }
0x112: {  	[sflag:s15] =	ssyncset.done $0x0  }
0x113: {  	[sflag:s15] =	ssyncadd.s32 $0xFFFFEA00  }
0x114: {  	_ =	swait.ge [sflag:s15], $0x1600  }
0x115: {  	[sflag:s15] =	ssyncset.done $0x0  }
0x116: {  	[sflag:s15] =	ssyncadd.s32 $0xFFFFEA00  }
0x117: {  	_ =	swait.ge [sflag:s15], $0x1600  }
0x118: {  	[sflag:s15] =	ssyncset.done $0x0  }
0x119: {  	[sflag:s15] =	ssyncadd.s32 $0xFFFFEA00  }
0x11a: {  	_ =	swait.ge [sflag:s15], $0x1600  }
0x11b: {  	[sflag:s15] =	ssyncset.done $0x0  }
0x11c: {  	[sflag:s15] =	ssyncadd.s32 $0xFFFFEA00  }
0x11d: {  	_ =	swait.ge [sflag:s15], $0x1600  }
0x11e: {  	[sflag:s15] =	ssyncset.done $0x0  }
0x11f: {  	s14 =	simm.s32 $0x0;
	[sflag:s15] =	ssyncadd.s32 $0xFFFFEA00  }
.LBB2_5:
0x120: {  	s3 =	sshll.u32 s14, $0x6  }
0x121: {  	s3 =	sand.u32 $0x3FFFFFC0, s3  }
0x122: {  	v6 =	vld [tilespmem:s3+$0x1A90]  }
0x123: {  	v5 =	vld [tilespmem:s3+$0x1AA0]  }
0x124: {  	v4 =	vld [tilespmem:s3+$0x1AB0]  }
0x125: {  	s25 =	simm.s32 $0x0;
	v3 =	vld [tilespmem:s3+$0x1AC0];
	s3 =	simm.s32 $0x100  }
.LBB2_6:
0x126: {  	p1 =	sne.s32 s3, $0x1F00;
	v7 =	vld [tilespmem:s25+$0x1050];
	_ =	sdelay $0x4  }
0x127: {  	v7 =	vadd.f32 v7, v6  }
0x128: {  	s1 =	sadd.s32 s25, s18  }
0x129: {  	[tilespmem:s1+$0x0] =	vst.add.f32.msk $0xffff, v7  }
0x12a: {  	v7 =	vld [tilespmem:s25+$0x1060];
	_ =	sdelay $0x4  }
0x12b: {  	v7 =	vadd.f32 v7, v5;
	_ =	sdelay $0x1  }
0x12c: {  	[tilespmem:s1+$0x10] =	vst.add.f32.msk $0xffff, v7  }
0x12d: {  	v7 =	vld [tilespmem:s25+$0x1070];
	_ =	sdelay $0x4  }
0x12e: {  	v7 =	vadd.f32 v7, v4;
	_ =	sdelay $0x1  }
0x12f: {  	[tilespmem:s1+$0x20] =	vst.add.f32.msk $0xffff, v7  }
0x130: {  	v7 =	vld [tilespmem:s25+$0x1080];
	_ =	sdelay $0x2  }
.Ltmp1:
0x131: {  	(pc) =	sbr.rel @p1 .LBB2_6-.Ltmp1, $3  }
0x132: {  	_ = 	snop  }
0x133: {  	v7 =	vadd.f32 v7, v3;
	_ =	sdelay $0x1  }
0x134: {  	s25 =	sshra.s32 s3, $0x2;
	s3 =	sadd.s32 $0x100, s3;
	[tilespmem:s1+$0x30] =	vst.add.f32.msk $0xffff, v7  }
0x135: {  	v7 =	vld [tilespmem:s25+$0x1050];
	_ =	sdelay $0x4  }
0x136: {  	v6 =	vadd.f32 v7, v6  }
0x137: {  	s1 =	sadd.s32 s25, s18  }
0x138: {  	[tilespmem:s1+$0x0] =	vst.add.f32.msk $0xffff, v6  }
0x139: {  	v6 =	vld [tilespmem:s25+$0x1060];
	_ =	sdelay $0x4  }
0x13a: {  	v5 =	vadd.f32 v6, v5;
	_ =	sdelay $0x1  }
0x13b: {  	[tilespmem:s1+$0x10] =	vst.add.f32.msk $0xffff, v5  }
0x13c: {  	v5 =	vld [tilespmem:s25+$0x1070];
	_ =	sdelay $0x4  }
0x13d: {  	v4 =	vadd.f32 v5, v4;
	_ =	sdelay $0x1  }
0x13e: {  	[tilespmem:s1+$0x20] =	vst.add.f32.msk $0xffff, v4  }
0x13f: {  	v4 =	vld [tilespmem:s25+$0x1080];
	_ =	sdelay $0x4  }
0x140: {  	v3 =	vadd.f32 v4, v3;
	_ =	sdelay $0x1  }
0x141: {  	[tilespmem:s1+$0x30] =	vst.add.f32.msk $0xffff, v3  }
0x142: {  	v3 =	vld [tilespmem:$0x1850];
	_ =	sdelay $0x1  }
0x143: {  	s25 =	smul.u32 $0x2100, s14;
	_ =	sdelay $0x1  }
0x144: {  	s1 =	sshra.s32 s25, $0x2  }
0x145: {  	[tilespmem:s1+$0x28A0] =	vst v3  }
0x146: {  	v3 =	vld [tilespmem:$0x1860];
	_ =	sdelay $0x4  }
0x147: {  	[tilespmem:s1+$0x28B0] =	vst v3  }
0x148: {  	v3 =	vld [tilespmem:$0x1870];
	_ =	sdelay $0x4  }
0x149: {  	s14 =	sadd.s32 $0x1, s14;
	[tilespmem:s1+$0x28C0] =	vst v3  }
0x14a: {  	p1 =	sne.s32 s14, $0x10;
	v3 =	vld [tilespmem:$0x1880]  }
.Ltmp2:
0x14b: {  	_ = 	snop;
	(pc) =	sbr.rel @p1 .LBB2_5-.Ltmp2, $2  }
0x14c: {  	_ =	sdelay $0x2  }
0x14d: {  	s18 =	sadd.s32 $0x840, s18;
	[tilespmem:s1+$0x28D0] =	vst v3  }
0x14e: {  	s1 =	smul.u32 $0x21, s17;
	_ =	sdelay $0x1  }
0x14f: {  	s1 =	sadd.s32 s1, s21  }
0x150: {  	s16 =	sadd.s32 $0x1, s16;
	s1 =	sshll.u32 s1, $0x3  }
0x151: {  	s3 =	rddreg [dreg:$0x3];
	p1 =	sne.s32 s16, $0x20;
	s1 =	sand.u32 $0x1FFFFFF8, s1  }
.Ltmp3:
0x152: {  	s1 =	sadd.s32 s3, s1;
	(pc) =	sbr.rel @p1 .LBB2_2-.Ltmp3, $4  }
0x153: {  	[hbm4b:s1+s4] =	stream.linear.scatter [tilespmem:s23], [sflag:$0x2], $0x8400, $0x38;
	[tilespmem:$0xA4A0] =	vst v63  }
0x154: {  	_ =	swait.ge [sflag:s24], $0x8400  }
0x155: {  	[sflag:s24] =	ssyncset.done $0x0  }
0x156: {  	[sflag:s24] =	ssyncadd.s32 $0xFFFF7C00  }
0x157: {  	s3 =	rddreg [dreg:$0x10]  }
0x158: {  	s1 =	rddreg [dreg:$0xf];
	s3 =	sadd.s32 $0x1, s3  }
0x159: {  	p1 =	sne.s32 s3, s1  }
.Ltmp4:
0x15a: {  	_ = 	snop;
	(pc) =	sbr.rel @p1 .LBB2_1-.Ltmp4, $1  }
0x15b: {  	_ =	sdelay $0x3  }
0x15c: {  	_ =	sfence.sel $0x180000  }
0x15d: {  	[bflag:$0x0] =	sbarrier.arrive $0xFFFF  }
0x15e: {  	_ =	strace $0x90000047  }
0x15f: {  	s0 =	stileid.u32;
	[bflag:$0x2] =	sbarrier.arrive $0xFFFF  }
0x160: {  	p0 =	sne.s32 s0, $0x0;
	s0 =	rddreg [dreg:$0x4]  }
0x161: {  	s0 =	sadd.s32 @!p0 $0x100000, s0  }
0x162: {  	[sflag:s0] =	ssyncadd.tile.s32 @!p0 $0x1;
	_ =	shalt  }
.Lfunc_end2:
_tile_overlayer_lowered:
.L_overlay_start_2:
0x163: {  	(tag) =	ssettag $0x2  }
0x164: {  	s0 =	rddreg [dreg:$0x0];
	s2 =	stileid.u32  }
0x165: {  	s1 =	rddreg [dreg:$0x1];
	p0 =	sne.s32 s2, $0x0  }
0x166: {  	s3 =	rddreg [dreg:$0x2];
	[bflag:$0x3] =	sbarrier.arrive $0xFFFF;
	s2 =	simm.s32 @!p0 $0x1C02  }
0x167: {  	[timem:s3], [sflag:s2] =	dma.local @!p0 [hbm:s0], s1  }
0x168: {  	s0 =	simm.s32 @!p0 $0x2  }
0x169: {  	_ =	swait.ge @!p0 [sflag:s0], s1  }
0x16a: {  	s1 =	ssub.s32 @!p0 $0x0, s1;
	[sflag:s0] =	ssyncset.done @!p0 $0x0  }
0x16b: {  	[sflag:s0] =	ssyncadd.s32 @!p0 s1  }
0x16c: {  	[bflag:$0x3] =	sbarrier.arrive $0xFFFF  }
0x16d: {  	_ =	shalt  }

</sc_bundles>
